<compile_context>
chip_gen: v7x
topology: tpu7x:2x2x1
jax: 0.10.2.dev20260603
libtpu: 0.0.44.dev20260713+nightly
codegen_flags: <defaults>
</compile_context>

<pallas_src>
import jax
import jax.numpy as jnp
from jax import lax
from jax.experimental import pallas as pl
from jax.experimental.pallas import tpu as pltpu
from jax.experimental.pallas import tpu_sc as plsc

STEP = 8
NROWS = 16
SEQ = 2048
D = 512
MAXLEN = SEQ - 1
NOUT = MAXLEN // STEP + 1
TOTAL = NROWS * NOUT
NWORK = 32
CHUNK = TOTAL // NWORK
LANES = 16
NCH = 2
SUB = CHUNK // NCH
PSRC = 1


def _flat_src(p, lens_v):
    b = lax.shift_right_logical(p, 8)
    k = p - b * NOUT
    l = plsc.load_gather(lens_v, [b])
    start = jnp.minimum(l - 1, (STEP - 1) + (l & (STEP - 1)))
    v = start + (k - 1) * STEP
    idx = jnp.where(k == 0, 0, jnp.where(v < l, v, MAXLEN - 1) + 1)
    return b * SEQ + idx


def _body(payload_hbm, lens_hbm, out_hbm, olens_hbm,
          lens_v, idx_v, buf_v, psrc_v, olens_v,
          semg0, semg1, semg2, semg3, semp, semp0, semp1, semp2, semp3):
    wid = lax.axis_index("s") * 2 + lax.axis_index("c")
    pltpu.sync_copy(lens_hbm, lens_v)
    iota = lax.iota(jnp.int32, LANES)
    base = wid * CHUNK
    b = lax.shift_right_logical(wid, 1)
    h = wid & 1

    psd = pltpu.async_copy(payload_hbm.at[pl.ds(b * SEQ + SEQ - 1, 1)],
                           psrc_v, semp)

    l = jnp.max(plsc.load_gather(lens_v, [iota * 0 + b]))
    bv = jnp.minimum(jnp.maximum(lax.shift_right_logical(l, 3), 1), NOUT - 1)
    fp = jnp.where(h == 0, 1 + jnp.minimum(bv, CHUNK - 1),
                   jnp.clip(bv - (CHUNK - 1), 0, CHUNK))

    for c in range(NCH):
        for g in range(SUB // LANES):
            s = c * SUB + g * LANES + iota
            real = _flat_src(base + s, lens_v)
            dummy = base * (SEQ // NOUT) + s
            idx_v[c, pl.ds(g * LANES, LANES)] = jnp.where(s < fp, real, dummy)

    semg = (semg0, semg1, semg2, semg3)
    gd = [pltpu.async_copy(payload_hbm.at[idx_v.at[t]],
                           buf_v.at[pl.ds(t * SUB, SUB)], semg[t])
          for t in range(NCH)]

    psd.wait()
    padv = [psrc_v[0, pl.ds(i * LANES, LANES)]
            for i in range(D // LANES)]

    dsts = [out_hbm.at[pl.ds(base + t * SUB, SUB)] for t in range(NCH)]
    semput = (semp0, semp1, semp2, semp3)
    pds = [None] * NCH
    for t in range(NCH):
        gd[t].wait()

        def _fill(rr, carry, t=t):
            for i in range(D // LANES):
                buf_v[t * SUB + rr, pl.ds(i * LANES, LANES)] = padv[i]
            return carry

        lo = jnp.clip(fp - t * SUB, 0, SUB)
        lax.fori_loop(lo, SUB, _fill, 0)

        pds[t] = pltpu.async_copy(buf_v.at[pl.ds(t * SUB, SUB)],
                                  dsts[t], semput[t])

    @pl.when(wid == 0)
    def _olens():
        olens_v[...] = jnp.minimum(1, lax.shift_right_logical(lens_v[...], 3))
        pltpu.sync_copy(olens_v, olens_hbm)

    for t in range(NCH):
        pds[t].wait()


_sc_call = pl.kernel(
    _body,
    out_type=(
        jax.ShapeDtypeStruct((TOTAL, D), jnp.float32),
        jax.ShapeDtypeStruct((NROWS,), jnp.int32),
    ),
    mesh=plsc.VectorSubcoreMesh(core_axis_name="c", subcore_axis_name="s"),
    compiler_params=pltpu.CompilerParams(needs_layout_passes=False),
    scratch_types=(
        pltpu.VMEM((NROWS,), jnp.int32),
        pltpu.VMEM((NCH, SUB), jnp.int32),
        pltpu.VMEM((CHUNK, D), jnp.float32),
        pltpu.VMEM((PSRC, D), jnp.float32),
        pltpu.VMEM((NROWS,), jnp.int32),
        pltpu.SemaphoreType.DMA,
        pltpu.SemaphoreType.DMA,
        pltpu.SemaphoreType.DMA,
        pltpu.SemaphoreType.DMA,
        pltpu.SemaphoreType.DMA,
        pltpu.SemaphoreType.DMA,
        pltpu.SemaphoreType.DMA,
        pltpu.SemaphoreType.DMA,
        pltpu.SemaphoreType.DMA,
    ),
)


@jax.jit
def kernel(x_payload, x_seq_lens):
    flat = x_payload.reshape(NROWS * SEQ, D)
    out, out_lens = _sc_call(flat, x_seq_lens.astype(jnp.int32))
    return out.reshape(NROWS, NOUT, D), out_lens

# --- scband reference (transcript-rebuilt; emitter-appended) ---
"""Pipeline reference for scband-skip-step-encoder-8693013807541 (READ-ONLY COPY).

The authoritative reference and input builder live on the scoring server;
editing this copy changes nothing except your own understanding.
"""

import jax, jax.numpy as jnp
import numpy as np

STEP_SIZE = 8


def _build_indices(seq_lens_np, max_len, s):
    rows = []
    for l in seq_lens_np:
        l = int(l)
        idx_to_take = np.arange(min(l - 1, s - 1 + l % s), l, s)
        pad_idx = np.array([max_len - 1] * (max_len // s - len(idx_to_take)), dtype=np.int64)
        idx = np.concatenate([np.array([-1], dtype=np.int64), idx_to_take.astype(np.int64), pad_idx]) + 1
        rows.append(idx)
    return np.stack(rows, axis=0)


def setup_inputs(seed: int = 0) -> dict:
    key = jax.random.key(seed)
    k1, k2 = jax.random.split(key)
    payload = jax.random.normal(k1, (16, 2048, 512), dtype=jnp.float32)
    seq_lens = jax.random.randint(k2, (16,), 0, 2047, dtype=jnp.int32)
    return {"x_payload": payload, "x_seq_lens": seq_lens}


def reference(x_payload, x_seq_lens):
    max_len = x_payload.shape[1] - 1
    s = STEP_SIZE
    n_rows = x_seq_lens.shape[0]
    l = x_seq_lens.astype(jnp.int32)[:, None]
    start = jnp.minimum(l - 1, s - 1 + l % s)
    j = jnp.arange(max_len // s, dtype=jnp.int32)[None, :]
    v = start + j * s
    body = jnp.where(v < l, v, max_len - 1) + 1
    lead = jnp.zeros((n_rows, 1), dtype=jnp.int32)
    second = jnp.concatenate([lead, body], axis=1)
    first = jnp.arange(n_rows, dtype=jnp.int32)[:, None]
    out = x_payload[first, second]
    out_lens = jnp.minimum(1, x_seq_lens // s).astype(jnp.int32)
    return out, out_lens

if __name__ == "__main__":
    import jax
    _d = setup_inputs()
    print(jax.jit(kernel)(*tuple(_d.values())))

</pallas_src>

<mosaic_0001>
#map = affine_map<(d0, d1) -> (0, 0)>
#map1 = affine_map<(d0, d1) -> (0)>
module attributes {stable_mosaic.version = 14 : i64} {
  func.func @_body(%arg0: i32, %arg1: i32, %arg2: memref<32768x512xf32, #tpu.memory_space<hbm>>, %arg3: memref<16xi32, #tpu.memory_space<hbm>>, %arg4: memref<4096x512xf32, #tpu.memory_space<hbm>>, %arg5: memref<16xi32, #tpu.memory_space<hbm>>, %arg6: memref<16xi32, #tpu.memory_space<vmem>>, %arg7: memref<2x64xi32, #tpu.memory_space<vmem>>, %arg8: memref<128x512xf32, #tpu.memory_space<vmem>>, %arg9: memref<1x512xf32, #tpu.memory_space<vmem>>, %arg10: memref<16xi32, #tpu.memory_space<vmem>>, %arg11: memref<!tpu.dma_semaphore, #tpu.memory_space<semaphore_mem>>, %arg12: memref<!tpu.dma_semaphore, #tpu.memory_space<semaphore_mem>>, %arg13: memref<!tpu.dma_semaphore, #tpu.memory_space<semaphore_mem>>, %arg14: memref<!tpu.dma_semaphore, #tpu.memory_space<semaphore_mem>>, %arg15: memref<!tpu.dma_semaphore, #tpu.memory_space<semaphore_mem>>, %arg16: memref<!tpu.dma_semaphore, #tpu.memory_space<semaphore_mem>>, %arg17: memref<!tpu.dma_semaphore, #tpu.memory_space<semaphore_mem>>, %arg18: memref<!tpu.dma_semaphore, #tpu.memory_space<semaphore_mem>>, %arg19: memref<!tpu.dma_semaphore, #tpu.memory_space<semaphore_mem>>) attributes {dimension_semantics = [#tpu.dimension_semantics<core_parallel>, #tpu.dimension_semantics<subcore_parallel>], iteration_bounds = array<i64: 2, 16>, scalar_prefetch = 0 : i64, scratch_operands = 14 : i64, tpu.core_type = #tpu.core_type<sc_vector_subcore>, window_params = [{transform_indices = #map}, {transform_indices = #map1}, {transform_indices = #map}, {transform_indices = #map1}]} {
    %mul3A = arith.constant 2 : i32
    %mul3A_0 = arith.muli %arg1, %mul3A : i32
    %add3A = arith.addi %mul3A_0, %arg0 : i32
    "tpu.region"() ({
      %run_scoped3A = tpu.sem_alloc : memref<!tpu.dma_semaphore, #tpu.memory_space<semaphore_mem>>
      tpu.enqueue_dma source(%arg3 : memref<16xi32, #tpu.memory_space<hbm>>) target(%arg6 : memref<16xi32, #tpu.memory_space<vmem>>) target_semaphore(%run_scoped3A : memref<!tpu.dma_semaphore, #tpu.memory_space<semaphore_mem>>)
      tpu.wait_dma2 semaphore(%run_scoped3A : memref<!tpu.dma_semaphore, #tpu.memory_space<semaphore_mem>>) src(%arg3 : memref<16xi32, #tpu.memory_space<hbm>>) dst(%arg6 : memref<16xi32, #tpu.memory_space<vmem>>)
      tpu.yield
    }) : () -> ()
    %iota3A = tpu.iota {dimensions = array<i32: 0>} : vector<16xi32>
    %mul3A_1 = arith.constant 128 : i32
    %mul3A_2 = arith.muli %add3A, %mul3A_1 : i32
    %shift_right_logical3A = arith.constant 1 : i32
    %shift_right_logical3A_3 = arith.shrui %add3A, %shift_right_logical3A : i32
    %and3A = arith.constant 1 : i32
    %and3A_4 = arith.andi %add3A, %and3A : i32
    %mul3A_5 = arith.constant 2048 : i32
    %mul3A_6 = arith.muli %shift_right_logical3A_3, %mul3A_5 : i32
    %add3A_7 = arith.constant 2048 : i32
    %add3A_8 = arith.addi %mul3A_6, %add3A_7 : i32
    %sub3A = arith.constant 1 : i32
    %sub3A_9 = arith.subi %add3A_8, %sub3A : i32
    %dma_start3A = arith.constant 0 : i32
    %dma_start3A_10 = tpu.memref_slice %arg2[%sub3A_9, %dma_start3A] : memref<32768x512xf32, #tpu.memory_space<hbm>> -> memref<1x512xf32, #tpu.memory_space<hbm>>
    %dma_start3A_11 = arith.constant 0 : i32
    %dma_start3A_12 = tpu.memref_slice %arg2[%sub3A_9, %dma_start3A_11] : memref<32768x512xf32, #tpu.memory_space<hbm>> -> memref<1x512xf32, #tpu.memory_space<hbm>>
    tpu.enqueue_dma source(%dma_start3A_12 : memref<1x512xf32, #tpu.memory_space<hbm>>) target(%arg9 : memref<1x512xf32, #tpu.memory_space<vmem>>) target_semaphore(%arg15 : memref<!tpu.dma_semaphore, #tpu.memory_space<semaphore_mem>>)
    %mul3A_13 = arith.constant 0 : i32
    %mul3A_14 = vector.broadcast %mul3A_13 : i32 to vector<16xi32>
    %mul3A_15 = arith.muli %iota3A, %mul3A_14 : vector<16xi32>
    %add3A_16 = vector.broadcast %shift_right_logical3A_3 : i32 to vector<16xi32>
    %add3A_17 = arith.addi %mul3A_15, %add3A_16 : vector<16xi32>
    %gather3A = tpu.vector_load_idx %arg6[%add3A_17] : memref<16xi32, #tpu.memory_space<vmem>>[vector<16xi32>], vector<16xi32>,
    %reduce_max3A = arith.constant true
    %reduce_max3A_18 = vector.broadcast %reduce_max3A : i1 to vector<16xi1>
    %reduce_max3A_19 = arith.constant -2147483648 : i32
    %reduce_max3A_20 = vector.broadcast %reduce_max3A_19 : i32 to vector<16xi32>
    %reduce_max3A_21 = arith.xori %gather3A, %reduce_max3A_20 : vector<16xi32>
    %reduce_max3A_22 = tpu.scan <max>, %reduce_max3A_21 masked %reduce_max3A_18 : vector<16xi32>, vector<16xi1> -> vector<16xi32>
    %reduce_max3A_23 = arith.xori %reduce_max3A_22, %reduce_max3A_20 : vector<16xi32>
    %reduce_max3A_24 = vector.extract %reduce_max3A_23[15] : i32 from vector<16xi32>
    %shift_right_logical3A_25 = arith.constant 3 : i32
    %shift_right_logical3A_26 = arith.shrui %reduce_max3A_24, %shift_right_logical3A_25 : i32
    %max3A = arith.constant 1 : i32
    %max3A_27 = arith.maxsi %shift_right_logical3A_26, %max3A : i32
    %min3A = arith.constant 255 : i32
    %min3A_28 = arith.minsi %max3A_27, %min3A : i32
    %eq3A = arith.constant 0 : i32
    %eq3A_29 = arith.cmpi eq, %and3A_4, %eq3A : i32
    %min3A_30 = arith.constant 127 : i32
    %min3A_31 = arith.minsi %min3A_28, %min3A_30 : i32
    %add3A_32 = arith.constant 1 : i32
    %add3A_33 = arith.addi %add3A_32, %min3A_31 : i32
    %sub3A_34 = arith.constant 127 : i32
    %sub3A_35 = arith.subi %min3A_28, %sub3A_34 : i32
    %jit3A = arith.constant 0 : i32
    %jit3A_36 = arith.constant 128 : i32
    %max3A_37 = arith.maxsi %jit3A, %sub3A_35 : i32
    %min3A_38 = arith.minsi %jit3A_36, %max3A_37 : i32
    %select_n3A = arith.select %eq3A_29, %add3A_33, %min3A_38 : i32
    %add3A_39 = arith.constant 0 : i32
    %add3A_40 = vector.broadcast %add3A_39 : i32 to vector<16xi32>
    %add3A_41 = arith.addi %add3A_40, %iota3A : vector<16xi32>
    %add3A_42 = vector.broadcast %mul3A_2 : i32 to vector<16xi32>
    %add3A_43 = arith.addi %add3A_42, %add3A_41 : vector<16xi32>
    %shift_right_logical3A_44 = arith.constant 8 : i32
    %shift_right_logical3A_45 = vector.broadcast %shift_right_logical3A_44 : i32 to vector<16xi32>
    %shift_right_logical3A_46 = arith.shrui %add3A_43, %shift_right_logical3A_45 : vector<16xi32>
    %mul3A_47 = arith.constant 256 : i32
    %mul3A_48 = vector.broadcast %mul3A_47 : i32 to vector<16xi32>
    %mul3A_49 = arith.muli %shift_right_logical3A_46, %mul3A_48 : vector<16xi32>
    %sub3A_50 = arith.subi %add3A_43, %mul3A_49 : vector<16xi32>
    %gather3A_51 = tpu.vector_load_idx %arg6[%shift_right_logical3A_46] : memref<16xi32, #tpu.memory_space<vmem>>[vector<16xi32>], vector<16xi32>,
    %sub3A_52 = arith.constant 1 : i32
    %sub3A_53 = vector.broadcast %sub3A_52 : i32 to vector<16xi32>
    %sub3A_54 = arith.subi %gather3A_51, %sub3A_53 : vector<16xi32>
    %and3A_55 = arith.constant 7 : i32
    %and3A_56 = vector.broadcast %and3A_55 : i32 to vector<16xi32>
    %and3A_57 = arith.andi %gather3A_51, %and3A_56 : vector<16xi32>
    %add3A_58 = arith.constant 7 : i32
    %add3A_59 = vector.broadcast %add3A_58 : i32 to vector<16xi32>
    %add3A_60 = arith.addi %add3A_59, %and3A_57 : vector<16xi32>
    %min3A_61 = arith.minsi %sub3A_54, %add3A_60 : vector<16xi32>
    %sub3A_62 = arith.constant 1 : i32
    %sub3A_63 = vector.broadcast %sub3A_62 : i32 to vector<16xi32>
    %sub3A_64 = arith.subi %sub3A_50, %sub3A_63 : vector<16xi32>
    %mul3A_65 = arith.constant 8 : i32
    %mul3A_66 = vector.broadcast %mul3A_65 : i32 to vector<16xi32>
    %mul3A_67 = arith.muli %sub3A_64, %mul3A_66 : vector<16xi32>
    %add3A_68 = arith.addi %min3A_61, %mul3A_67 : vector<16xi32>
    %eq3A_69 = arith.constant 0 : i32
    %eq3A_70 = vector.broadcast %eq3A_69 : i32 to vector<16xi32>
    %eq3A_71 = arith.cmpi eq, %sub3A_50, %eq3A_70 : vector<16xi32>
    %lt3A = arith.cmpi slt, %add3A_68, %gather3A_51 : vector<16xi32>
    %jit3A_72 = arith.constant 2046 : i32
    %broadcast_in_dim3A = vector.broadcast %jit3A_72 : i32 to vector<16xi32>
    %select_n3A_73 = arith.select %lt3A, %add3A_68, %broadcast_in_dim3A : vector<16xi1>, vector<16xi32>
    %add3A_74 = arith.constant 1 : i32
    %add3A_75 = vector.broadcast %add3A_74 : i32 to vector<16xi32>
    %add3A_76 = arith.addi %select_n3A_73, %add3A_75 : vector<16xi32>
    %jit3A_77 = arith.constant 0 : i32
    %broadcast_in_dim3A_78 = vector.broadcast %jit3A_77 : i32 to vector<16xi32>
    %select_n3A_79 = arith.select %eq3A_71, %broadcast_in_dim3A_78, %add3A_76 : vector<16xi1>, vector<16xi32>
    %mul3A_80 = arith.constant 2048 : i32
    %mul3A_81 = vector.broadcast %mul3A_80 : i32 to vector<16xi32>
    %mul3A_82 = arith.muli %shift_right_logical3A_46, %mul3A_81 : vector<16xi32>
    %add3A_83 = arith.addi %mul3A_82, %select_n3A_79 : vector<16xi32>
    %mul3A_84 = arith.constant 8 : i32
    %mul3A_85 = arith.muli %mul3A_2, %mul3A_84 : i32
    %add3A_86 = vector.broadcast %mul3A_85 : i32 to vector<16xi32>
    %add3A_87 = arith.addi %add3A_86, %add3A_41 : vector<16xi32>
    %lt3A_88 = vector.broadcast %select_n3A : i32 to vector<16xi32>
    %lt3A_89 = arith.cmpi slt, %add3A_41, %lt3A_88 : vector<16xi32>
    %select_n3A_90 = arith.select %lt3A_89, %add3A_83, %add3A_87 : vector<16xi1>, vector<16xi32>
    %swap3A = arith.constant 0 : i32
    %swap3A_91 = arith.index_cast %swap3A : i32 to index
    %swap3A_92 = arith.constant 0 : index
    %swap3A_93 = tpu.vector_load %arg7[%swap3A_91, %swap3A_92] {strides = array<i32>} : memref<2x64xi32, #tpu.memory_space<vmem>>, vector<16xi32>,
    tpu.vector_store %arg7[%swap3A_91, %swap3A_92], %select_n3A_90 {strides = array<i32>} : memref<2x64xi32, #tpu.memory_space<vmem>>, vector<16xi32>,
    %add3A_94 = arith.constant 16 : i32
    %add3A_95 = vector.broadcast %add3A_94 : i32 to vector<16xi32>
    %add3A_96 = arith.addi %add3A_95, %iota3A : vector<16xi32>
    %add3A_97 = vector.broadcast %mul3A_2 : i32 to vector<16xi32>
    %add3A_98 = arith.addi %add3A_97, %add3A_96 : vector<16xi32>
    %shift_right_logical3A_99 = arith.constant 8 : i32
    %shift_right_logical3A_100 = vector.broadcast %shift_right_logical3A_99 : i32 to vector<16xi32>
    %shift_right_logical3A_101 = arith.shrui %add3A_98, %shift_right_logical3A_100 : vector<16xi32>
    %mul3A_102 = arith.constant 256 : i32
    %mul3A_103 = vector.broadcast %mul3A_102 : i32 to vector<16xi32>
    %mul3A_104 = arith.muli %shift_right_logical3A_101, %mul3A_103 : vector<16xi32>
    %sub3A_105 = arith.subi %add3A_98, %mul3A_104 : vector<16xi32>
    %gather3A_106 = tpu.vector_load_idx %arg6[%shift_right_logical3A_101] : memref<16xi32, #tpu.memory_space<vmem>>[vector<16xi32>], vector<16xi32>,
    %sub3A_107 = arith.constant 1 : i32
    %sub3A_108 = vector.broadcast %sub3A_107 : i32 to vector<16xi32>
    %sub3A_109 = arith.subi %gather3A_106, %sub3A_108 : vector<16xi32>
    %and3A_110 = arith.constant 7 : i32
    %and3A_111 = vector.broadcast %and3A_110 : i32 to vector<16xi32>
    %and3A_112 = arith.andi %gather3A_106, %and3A_111 : vector<16xi32>
    %add3A_113 = arith.constant 7 : i32
    %add3A_114 = vector.broadcast %add3A_113 : i32 to vector<16xi32>
    %add3A_115 = arith.addi %add3A_114, %and3A_112 : vector<16xi32>
    %min3A_116 = arith.minsi %sub3A_109, %add3A_115 : vector<16xi32>
    %sub3A_117 = arith.constant 1 : i32
    %sub3A_118 = vector.broadcast %sub3A_117 : i32 to vector<16xi32>
    %sub3A_119 = arith.subi %sub3A_105, %sub3A_118 : vector<16xi32>
    %mul3A_120 = arith.constant 8 : i32
    %mul3A_121 = vector.broadcast %mul3A_120 : i32 to vector<16xi32>
    %mul3A_122 = arith.muli %sub3A_119, %mul3A_121 : vector<16xi32>
    %add3A_123 = arith.addi %min3A_116, %mul3A_122 : vector<16xi32>
    %eq3A_124 = arith.constant 0 : i32
    %eq3A_125 = vector.broadcast %eq3A_124 : i32 to vector<16xi32>
    %eq3A_126 = arith.cmpi eq, %sub3A_105, %eq3A_125 : vector<16xi32>
    %lt3A_127 = arith.cmpi slt, %add3A_123, %gather3A_106 : vector<16xi32>
    %jit3A_128 = arith.constant 2046 : i32
    %broadcast_in_dim3A_129 = vector.broadcast %jit3A_128 : i32 to vector<16xi32>
    %select_n3A_130 = arith.select %lt3A_127, %add3A_123, %broadcast_in_dim3A_129 : vector<16xi1>, vector<16xi32>
    %add3A_131 = arith.constant 1 : i32
    %add3A_132 = vector.broadcast %add3A_131 : i32 to vector<16xi32>
    %add3A_133 = arith.addi %select_n3A_130, %add3A_132 : vector<16xi32>
    %jit3A_134 = arith.constant 0 : i32
    %broadcast_in_dim3A_135 = vector.broadcast %jit3A_134 : i32 to vector<16xi32>
    %select_n3A_136 = arith.select %eq3A_126, %broadcast_in_dim3A_135, %add3A_133 : vector<16xi1>, vector<16xi32>
    %mul3A_137 = arith.constant 2048 : i32
    %mul3A_138 = vector.broadcast %mul3A_137 : i32 to vector<16xi32>
    %mul3A_139 = arith.muli %shift_right_logical3A_101, %mul3A_138 : vector<16xi32>
    %add3A_140 = arith.addi %mul3A_139, %select_n3A_136 : vector<16xi32>
    %mul3A_141 = arith.constant 8 : i32
    %mul3A_142 = arith.muli %mul3A_2, %mul3A_141 : i32
    %add3A_143 = vector.broadcast %mul3A_142 : i32 to vector<16xi32>
    %add3A_144 = arith.addi %add3A_143, %add3A_96 : vector<16xi32>
    %lt3A_145 = vector.broadcast %select_n3A : i32 to vector<16xi32>
    %lt3A_146 = arith.cmpi slt, %add3A_96, %lt3A_145 : vector<16xi32>
    %select_n3A_147 = arith.select %lt3A_146, %add3A_140, %add3A_144 : vector<16xi1>, vector<16xi32>
    %swap3A_148 = arith.constant 0 : i32
    %swap3A_149 = arith.index_cast %swap3A_148 : i32 to index
    %swap3A_150 = arith.constant 16 : index
    %swap3A_151 = tpu.vector_load %arg7[%swap3A_149, %swap3A_150] {strides = array<i32>} : memref<2x64xi32, #tpu.memory_space<vmem>>, vector<16xi32>,
    tpu.vector_store %arg7[%swap3A_149, %swap3A_150], %select_n3A_147 {strides = array<i32>} : memref<2x64xi32, #tpu.memory_space<vmem>>, vector<16xi32>,
    %add3A_152 = arith.constant 32 : i32
    %add3A_153 = vector.broadcast %add3A_152 : i32 to vector<16xi32>
    %add3A_154 = arith.addi %add3A_153, %iota3A : vector<16xi32>
    %add3A_155 = vector.broadcast %mul3A_2 : i32 to vector<16xi32>
    %add3A_156 = arith.addi %add3A_155, %add3A_154 : vector<16xi32>
    %shift_right_logical3A_157 = arith.constant 8 : i32
    %shift_right_logical3A_158 = vector.broadcast %shift_right_logical3A_157 : i32 to vector<16xi32>
    %shift_right_logical3A_159 = arith.shrui %add3A_156, %shift_right_logical3A_158 : vector<16xi32>
    %mul3A_160 = arith.constant 256 : i32
    %mul3A_161 = vector.broadcast %mul3A_160 : i32 to vector<16xi32>
    %mul3A_162 = arith.muli %shift_right_logical3A_159, %mul3A_161 : vector<16xi32>
    %sub3A_163 = arith.subi %add3A_156, %mul3A_162 : vector<16xi32>
    %gather3A_164 = tpu.vector_load_idx %arg6[%shift_right_logical3A_159] : memref<16xi32, #tpu.memory_space<vmem>>[vector<16xi32>], vector<16xi32>,
    %sub3A_165 = arith.constant 1 : i32
    %sub3A_166 = vector.broadcast %sub3A_165 : i32 to vector<16xi32>
    %sub3A_167 = arith.subi %gather3A_164, %sub3A_166 : vector<16xi32>
    %and3A_168 = arith.constant 7 : i32
    %and3A_169 = vector.broadcast %and3A_168 : i32 to vector<16xi32>
    %and3A_170 = arith.andi %gather3A_164, %and3A_169 : vector<16xi32>
    %add3A_171 = arith.constant 7 : i32
    %add3A_172 = vector.broadcast %add3A_171 : i32 to vector<16xi32>
    %add3A_173 = arith.addi %add3A_172, %and3A_170 : vector<16xi32>
    %min3A_174 = arith.minsi %sub3A_167, %add3A_173 : vector<16xi32>
    %sub3A_175 = arith.constant 1 : i32
    %sub3A_176 = vector.broadcast %sub3A_175 : i32 to vector<16xi32>
    %sub3A_177 = arith.subi %sub3A_163, %sub3A_176 : vector<16xi32>
    %mul3A_178 = arith.constant 8 : i32
    %mul3A_179 = vector.broadcast %mul3A_178 : i32 to vector<16xi32>
    %mul3A_180 = arith.muli %sub3A_177, %mul3A_179 : vector<16xi32>
    %add3A_181 = arith.addi %min3A_174, %mul3A_180 : vector<16xi32>
    %eq3A_182 = arith.constant 0 : i32
    %eq3A_183 = vector.broadcast %eq3A_182 : i32 to vector<16xi32>
    %eq3A_184 = arith.cmpi eq, %sub3A_163, %eq3A_183 : vector<16xi32>
    %lt3A_185 = arith.cmpi slt, %add3A_181, %gather3A_164 : vector<16xi32>
    %jit3A_186 = arith.constant 2046 : i32
    %broadcast_in_dim3A_187 = vector.broadcast %jit3A_186 : i32 to vector<16xi32>
    %select_n3A_188 = arith.select %lt3A_185, %add3A_181, %broadcast_in_dim3A_187 : vector<16xi1>, vector<16xi32>
    %add3A_189 = arith.constant 1 : i32
    %add3A_190 = vector.broadcast %add3A_189 : i32 to vector<16xi32>
    %add3A_191 = arith.addi %select_n3A_188, %add3A_190 : vector<16xi32>
    %jit3A_192 = arith.constant 0 : i32
    %broadcast_in_dim3A_193 = vector.broadcast %jit3A_192 : i32 to vector<16xi32>
    %select_n3A_194 = arith.select %eq3A_184, %broadcast_in_dim3A_193, %add3A_191 : vector<16xi1>, vector<16xi32>
    %mul3A_195 = arith.constant 2048 : i32
    %mul3A_196 = vector.broadcast %mul3A_195 : i32 to vector<16xi32>
    %mul3A_197 = arith.muli %shift_right_logical3A_159, %mul3A_196 : vector<16xi32>
    %add3A_198 = arith.addi %mul3A_197, %select_n3A_194 : vector<16xi32>
    %mul3A_199 = arith.constant 8 : i32
    %mul3A_200 = arith.muli %mul3A_2, %mul3A_199 : i32
    %add3A_201 = vector.broadcast %mul3A_200 : i32 to vector<16xi32>
    %add3A_202 = arith.addi %add3A_201, %add3A_154 : vector<16xi32>
    %lt3A_203 = vector.broadcast %select_n3A : i32 to vector<16xi32>
    %lt3A_204 = arith.cmpi slt, %add3A_154, %lt3A_203 : vector<16xi32>
    %select_n3A_205 = arith.select %lt3A_204, %add3A_198, %add3A_202 : vector<16xi1>, vector<16xi32>
    %swap3A_206 = arith.constant 0 : i32
    %swap3A_207 = arith.index_cast %swap3A_206 : i32 to index
    %swap3A_208 = arith.constant 32 : index
    %swap3A_209 = tpu.vector_load %arg7[%swap3A_207, %swap3A_208] {strides = array<i32>} : memref<2x64xi32, #tpu.memory_space<vmem>>, vector<16xi32>,
    tpu.vector_store %arg7[%swap3A_207, %swap3A_208], %select_n3A_205 {strides = array<i32>} : memref<2x64xi32, #tpu.memory_space<vmem>>, vector<16xi32>,
    %add3A_210 = arith.constant 48 : i32
    %add3A_211 = vector.broadcast %add3A_210 : i32 to vector<16xi32>
    %add3A_212 = arith.addi %add3A_211, %iota3A : vector<16xi32>
    %add3A_213 = vector.broadcast %mul3A_2 : i32 to vector<16xi32>
    %add3A_214 = arith.addi %add3A_213, %add3A_212 : vector<16xi32>
    %shift_right_logical3A_215 = arith.constant 8 : i32
    %shift_right_logical3A_216 = vector.broadcast %shift_right_logical3A_215 : i32 to vector<16xi32>
    %shift_right_logical3A_217 = arith.shrui %add3A_214, %shift_right_logical3A_216 : vector<16xi32>
    %mul3A_218 = arith.constant 256 : i32
    %mul3A_219 = vector.broadcast %mul3A_218 : i32 to vector<16xi32>
    %mul3A_220 = arith.muli %shift_right_logical3A_217, %mul3A_219 : vector<16xi32>
    %sub3A_221 = arith.subi %add3A_214, %mul3A_220 : vector<16xi32>
    %gather3A_222 = tpu.vector_load_idx %arg6[%shift_right_logical3A_217] : memref<16xi32, #tpu.memory_space<vmem>>[vector<16xi32>], vector<16xi32>,
    %sub3A_223 = arith.constant 1 : i32
    %sub3A_224 = vector.broadcast %sub3A_223 : i32 to vector<16xi32>
    %sub3A_225 = arith.subi %gather3A_222, %sub3A_224 : vector<16xi32>
    %and3A_226 = arith.constant 7 : i32
    %and3A_227 = vector.broadcast %and3A_226 : i32 to vector<16xi32>
    %and3A_228 = arith.andi %gather3A_222, %and3A_227 : vector<16xi32>
    %add3A_229 = arith.constant 7 : i32
    %add3A_230 = vector.broadcast %add3A_229 : i32 to vector<16xi32>
    %add3A_231 = arith.addi %add3A_230, %and3A_228 : vector<16xi32>
    %min3A_232 = arith.minsi %sub3A_225, %add3A_231 : vector<16xi32>
    %sub3A_233 = arith.constant 1 : i32
    %sub3A_234 = vector.broadcast %sub3A_233 : i32 to vector<16xi32>
    %sub3A_235 = arith.subi %sub3A_221, %sub3A_234 : vector<16xi32>
    %mul3A_236 = arith.constant 8 : i32
    %mul3A_237 = vector.broadcast %mul3A_236 : i32 to vector<16xi32>
    %mul3A_238 = arith.muli %sub3A_235, %mul3A_237 : vector<16xi32>
    %add3A_239 = arith.addi %min3A_232, %mul3A_238 : vector<16xi32>
    %eq3A_240 = arith.constant 0 : i32
    %eq3A_241 = vector.broadcast %eq3A_240 : i32 to vector<16xi32>
    %eq3A_242 = arith.cmpi eq, %sub3A_221, %eq3A_241 : vector<16xi32>
    %lt3A_243 = arith.cmpi slt, %add3A_239, %gather3A_222 : vector<16xi32>
    %jit3A_244 = arith.constant 2046 : i32
    %broadcast_in_dim3A_245 = vector.broadcast %jit3A_244 : i32 to vector<16xi32>
    %select_n3A_246 = arith.select %lt3A_243, %add3A_239, %broadcast_in_dim3A_245 : vector<16xi1>, vector<16xi32>
    %add3A_247 = arith.constant 1 : i32
    %add3A_248 = vector.broadcast %add3A_247 : i32 to vector<16xi32>
    %add3A_249 = arith.addi %select_n3A_246, %add3A_248 : vector<16xi32>
    %jit3A_250 = arith.constant 0 : i32
    %broadcast_in_dim3A_251 = vector.broadcast %jit3A_250 : i32 to vector<16xi32>
    %select_n3A_252 = arith.select %eq3A_242, %broadcast_in_dim3A_251, %add3A_249 : vector<16xi1>, vector<16xi32>
    %mul3A_253 = arith.constant 2048 : i32
    %mul3A_254 = vector.broadcast %mul3A_253 : i32 to vector<16xi32>
    %mul3A_255 = arith.muli %shift_right_logical3A_217, %mul3A_254 : vector<16xi32>
    %add3A_256 = arith.addi %mul3A_255, %select_n3A_252 : vector<16xi32>
    %mul3A_257 = arith.constant 8 : i32
    %mul3A_258 = arith.muli %mul3A_2, %mul3A_257 : i32
    %add3A_259 = vector.broadcast %mul3A_258 : i32 to vector<16xi32>
    %add3A_260 = arith.addi %add3A_259, %add3A_212 : vector<16xi32>
    %lt3A_261 = vector.broadcast %select_n3A : i32 to vector<16xi32>
    %lt3A_262 = arith.cmpi slt, %add3A_212, %lt3A_261 : vector<16xi32>
    %select_n3A_263 = arith.select %lt3A_262, %add3A_256, %add3A_260 : vector<16xi1>, vector<16xi32>
    %swap3A_264 = arith.constant 0 : i32
    %swap3A_265 = arith.index_cast %swap3A_264 : i32 to index
    %swap3A_266 = arith.constant 48 : index
    %swap3A_267 = tpu.vector_load %arg7[%swap3A_265, %swap3A_266] {strides = array<i32>} : memref<2x64xi32, #tpu.memory_space<vmem>>, vector<16xi32>,
    tpu.vector_store %arg7[%swap3A_265, %swap3A_266], %select_n3A_263 {strides = array<i32>} : memref<2x64xi32, #tpu.memory_space<vmem>>, vector<16xi32>,
    %add3A_268 = arith.constant 64 : i32
    %add3A_269 = vector.broadcast %add3A_268 : i32 to vector<16xi32>
    %add3A_270 = arith.addi %add3A_269, %iota3A : vector<16xi32>
    %add3A_271 = vector.broadcast %mul3A_2 : i32 to vector<16xi32>
    %add3A_272 = arith.addi %add3A_271, %add3A_270 : vector<16xi32>
    %shift_right_logical3A_273 = arith.constant 8 : i32
    %shift_right_logical3A_274 = vector.broadcast %shift_right_logical3A_273 : i32 to vector<16xi32>
    %shift_right_logical3A_275 = arith.shrui %add3A_272, %shift_right_logical3A_274 : vector<16xi32>
    %mul3A_276 = arith.constant 256 : i32
    %mul3A_277 = vector.broadcast %mul3A_276 : i32 to vector<16xi32>
    %mul3A_278 = arith.muli %shift_right_logical3A_275, %mul3A_277 : vector<16xi32>
    %sub3A_279 = arith.subi %add3A_272, %mul3A_278 : vector<16xi32>
    %gather3A_280 = tpu.vector_load_idx %arg6[%shift_right_logical3A_275] : memref<16xi32, #tpu.memory_space<vmem>>[vector<16xi32>], vector<16xi32>,
    %sub3A_281 = arith.constant 1 : i32
    %sub3A_282 = vector.broadcast %sub3A_281 : i32 to vector<16xi32>
    %sub3A_283 = arith.subi %gather3A_280, %sub3A_282 : vector<16xi32>
    %and3A_284 = arith.constant 7 : i32
    %and3A_285 = vector.broadcast %and3A_284 : i32 to vector<16xi32>
    %and3A_286 = arith.andi %gather3A_280, %and3A_285 : vector<16xi32>
    %add3A_287 = arith.constant 7 : i32
    %add3A_288 = vector.broadcast %add3A_287 : i32 to vector<16xi32>
    %add3A_289 = arith.addi %add3A_288, %and3A_286 : vector<16xi32>
    %min3A_290 = arith.minsi %sub3A_283, %add3A_289 : vector<16xi32>
    %sub3A_291 = arith.constant 1 : i32
    %sub3A_292 = vector.broadcast %sub3A_291 : i32 to vector<16xi32>
    %sub3A_293 = arith.subi %sub3A_279, %sub3A_292 : vector<16xi32>
    %mul3A_294 = arith.constant 8 : i32
    %mul3A_295 = vector.broadcast %mul3A_294 : i32 to vector<16xi32>
    %mul3A_296 = arith.muli %sub3A_293, %mul3A_295 : vector<16xi32>
    %add3A_297 = arith.addi %min3A_290, %mul3A_296 : vector<16xi32>
    %eq3A_298 = arith.constant 0 : i32
    %eq3A_299 = vector.broadcast %eq3A_298 : i32 to vector<16xi32>
    %eq3A_300 = arith.cmpi eq, %sub3A_279, %eq3A_299 : vector<16xi32>
    %lt3A_301 = arith.cmpi slt, %add3A_297, %gather3A_280 : vector<16xi32>
    %jit3A_302 = arith.constant 2046 : i32
    %broadcast_in_dim3A_303 = vector.broadcast %jit3A_302 : i32 to vector<16xi32>
    %select_n3A_304 = arith.select %lt3A_301, %add3A_297, %broadcast_in_dim3A_303 : vector<16xi1>, vector<16xi32>
    %add3A_305 = arith.constant 1 : i32
    %add3A_306 = vector.broadcast %add3A_305 : i32 to vector<16xi32>
    %add3A_307 = arith.addi %select_n3A_304, %add3A_306 : vector<16xi32>
    %jit3A_308 = arith.constant 0 : i32
    %broadcast_in_dim3A_309 = vector.broadcast %jit3A_308 : i32 to vector<16xi32>
    %select_n3A_310 = arith.select %eq3A_300, %broadcast_in_dim3A_309, %add3A_307 : vector<16xi1>, vector<16xi32>
    %mul3A_311 = arith.constant 2048 : i32
    %mul3A_312 = vector.broadcast %mul3A_311 : i32 to vector<16xi32>
    %mul3A_313 = arith.muli %shift_right_logical3A_275, %mul3A_312 : vector<16xi32>
    %add3A_314 = arith.addi %mul3A_313, %select_n3A_310 : vector<16xi32>
    %mul3A_315 = arith.constant 8 : i32
    %mul3A_316 = arith.muli %mul3A_2, %mul3A_315 : i32
    %add3A_317 = vector.broadcast %mul3A_316 : i32 to vector<16xi32>
    %add3A_318 = arith.addi %add3A_317, %add3A_270 : vector<16xi32>
    %lt3A_319 = vector.broadcast %select_n3A : i32 to vector<16xi32>
    %lt3A_320 = arith.cmpi slt, %add3A_270, %lt3A_319 : vector<16xi32>
    %select_n3A_321 = arith.select %lt3A_320, %add3A_314, %add3A_318 : vector<16xi1>, vector<16xi32>
    %swap3A_322 = arith.constant 1 : i32
    %swap3A_323 = arith.index_cast %swap3A_322 : i32 to index
    %swap3A_324 = arith.constant 0 : index
    %swap3A_325 = tpu.vector_load %arg7[%swap3A_323, %swap3A_324] {strides = array<i32>} : memref<2x64xi32, #tpu.memory_space<vmem>>, vector<16xi32>,
    tpu.vector_store %arg7[%swap3A_323, %swap3A_324], %select_n3A_321 {strides = array<i32>} : memref<2x64xi32, #tpu.memory_space<vmem>>, vector<16xi32>,
    %add3A_326 = arith.constant 80 : i32
    %add3A_327 = vector.broadcast %add3A_326 : i32 to vector<16xi32>
    %add3A_328 = arith.addi %add3A_327, %iota3A : vector<16xi32>
    %add3A_329 = vector.broadcast %mul3A_2 : i32 to vector<16xi32>
    %add3A_330 = arith.addi %add3A_329, %add3A_328 : vector<16xi32>
    %shift_right_logical3A_331 = arith.constant 8 : i32
    %shift_right_logical3A_332 = vector.broadcast %shift_right_logical3A_331 : i32 to vector<16xi32>
    %shift_right_logical3A_333 = arith.shrui %add3A_330, %shift_right_logical3A_332 : vector<16xi32>
    %mul3A_334 = arith.constant 256 : i32
    %mul3A_335 = vector.broadcast %mul3A_334 : i32 to vector<16xi32>
    %mul3A_336 = arith.muli %shift_right_logical3A_333, %mul3A_335 : vector<16xi32>
    %sub3A_337 = arith.subi %add3A_330, %mul3A_336 : vector<16xi32>
    %gather3A_338 = tpu.vector_load_idx %arg6[%shift_right_logical3A_333] : memref<16xi32, #tpu.memory_space<vmem>>[vector<16xi32>], vector<16xi32>,
    %sub3A_339 = arith.constant 1 : i32
    %sub3A_340 = vector.broadcast %sub3A_339 : i32 to vector<16xi32>
    %sub3A_341 = arith.subi %gather3A_338, %sub3A_340 : vector<16xi32>
    %and3A_342 = arith.constant 7 : i32
    %and3A_343 = vector.broadcast %and3A_342 : i32 to vector<16xi32>
    %and3A_344 = arith.andi %gather3A_338, %and3A_343 : vector<16xi32>
    %add3A_345 = arith.constant 7 : i32
    %add3A_346 = vector.broadcast %add3A_345 : i32 to vector<16xi32>
    %add3A_347 = arith.addi %add3A_346, %and3A_344 : vector<16xi32>
    %min3A_348 = arith.minsi %sub3A_341, %add3A_347 : vector<16xi32>
    %sub3A_349 = arith.constant 1 : i32
    %sub3A_350 = vector.broadcast %sub3A_349 : i32 to vector<16xi32>
    %sub3A_351 = arith.subi %sub3A_337, %sub3A_350 : vector<16xi32>
    %mul3A_352 = arith.constant 8 : i32
    %mul3A_353 = vector.broadcast %mul3A_352 : i32 to vector<16xi32>
    %mul3A_354 = arith.muli %sub3A_351, %mul3A_353 : vector<16xi32>
    %add3A_355 = arith.addi %min3A_348, %mul3A_354 : vector<16xi32>
    %eq3A_356 = arith.constant 0 : i32
    %eq3A_357 = vector.broadcast %eq3A_356 : i32 to vector<16xi32>
    %eq3A_358 = arith.cmpi eq, %sub3A_337, %eq3A_357 : vector<16xi32>
    %lt3A_359 = arith.cmpi slt, %add3A_355, %gather3A_338 : vector<16xi32>
    %jit3A_360 = arith.constant 2046 : i32
    %broadcast_in_dim3A_361 = vector.broadcast %jit3A_360 : i32 to vector<16xi32>
    %select_n3A_362 = arith.select %lt3A_359, %add3A_355, %broadcast_in_dim3A_361 : vector<16xi1>, vector<16xi32>
    %add3A_363 = arith.constant 1 : i32
    %add3A_364 = vector.broadcast %add3A_363 : i32 to vector<16xi32>
    %add3A_365 = arith.addi %select_n3A_362, %add3A_364 : vector<16xi32>
    %jit3A_366 = arith.constant 0 : i32
    %broadcast_in_dim3A_367 = vector.broadcast %jit3A_366 : i32 to vector<16xi32>
    %select_n3A_368 = arith.select %eq3A_358, %broadcast_in_dim3A_367, %add3A_365 : vector<16xi1>, vector<16xi32>
    %mul3A_369 = arith.constant 2048 : i32
    %mul3A_370 = vector.broadcast %mul3A_369 : i32 to vector<16xi32>
    %mul3A_371 = arith.muli %shift_right_logical3A_333, %mul3A_370 : vector<16xi32>
    %add3A_372 = arith.addi %mul3A_371, %select_n3A_368 : vector<16xi32>
    %mul3A_373 = arith.constant 8 : i32
    %mul3A_374 = arith.muli %mul3A_2, %mul3A_373 : i32
    %add3A_375 = vector.broadcast %mul3A_374 : i32 to vector<16xi32>
    %add3A_376 = arith.addi %add3A_375, %add3A_328 : vector<16xi32>
    %lt3A_377 = vector.broadcast %select_n3A : i32 to vector<16xi32>
    %lt3A_378 = arith.cmpi slt, %add3A_328, %lt3A_377 : vector<16xi32>
    %select_n3A_379 = arith.select %lt3A_378, %add3A_372, %add3A_376 : vector<16xi1>, vector<16xi32>
    %swap3A_380 = arith.constant 1 : i32
    %swap3A_381 = arith.index_cast %swap3A_380 : i32 to index
    %swap3A_382 = arith.constant 16 : index
    %swap3A_383 = tpu.vector_load %arg7[%swap3A_381, %swap3A_382] {strides = array<i32>} : memref<2x64xi32, #tpu.memory_space<vmem>>, vector<16xi32>,
    tpu.vector_store %arg7[%swap3A_381, %swap3A_382], %select_n3A_379 {strides = array<i32>} : memref<2x64xi32, #tpu.memory_space<vmem>>, vector<16xi32>,
    %add3A_384 = arith.constant 96 : i32
    %add3A_385 = vector.broadcast %add3A_384 : i32 to vector<16xi32>
    %add3A_386 = arith.addi %add3A_385, %iota3A : vector<16xi32>
    %add3A_387 = vector.broadcast %mul3A_2 : i32 to vector<16xi32>
    %add3A_388 = arith.addi %add3A_387, %add3A_386 : vector<16xi32>
    %shift_right_logical3A_389 = arith.constant 8 : i32
    %shift_right_logical3A_390 = vector.broadcast %shift_right_logical3A_389 : i32 to vector<16xi32>
    %shift_right_logical3A_391 = arith.shrui %add3A_388, %shift_right_logical3A_390 : vector<16xi32>
    %mul3A_392 = arith.constant 256 : i32
    %mul3A_393 = vector.broadcast %mul3A_392 : i32 to vector<16xi32>
    %mul3A_394 = arith.muli %shift_right_logical3A_391, %mul3A_393 : vector<16xi32>
    %sub3A_395 = arith.subi %add3A_388, %mul3A_394 : vector<16xi32>
    %gather3A_396 = tpu.vector_load_idx %arg6[%shift_right_logical3A_391] : memref<16xi32, #tpu.memory_space<vmem>>[vector<16xi32>], vector<16xi32>,
    %sub3A_397 = arith.constant 1 : i32
    %sub3A_398 = vector.broadcast %sub3A_397 : i32 to vector<16xi32>
    %sub3A_399 = arith.subi %gather3A_396, %sub3A_398 : vector<16xi32>
    %and3A_400 = arith.constant 7 : i32
    %and3A_401 = vector.broadcast %and3A_400 : i32 to vector<16xi32>
    %and3A_402 = arith.andi %gather3A_396, %and3A_401 : vector<16xi32>
    %add3A_403 = arith.constant 7 : i32
    %add3A_404 = vector.broadcast %add3A_403 : i32 to vector<16xi32>
    %add3A_405 = arith.addi %add3A_404, %and3A_402 : vector<16xi32>
    %min3A_406 = arith.minsi %sub3A_399, %add3A_405 : vector<16xi32>
    %sub3A_407 = arith.constant 1 : i32
    %sub3A_408 = vector.broadcast %sub3A_407 : i32 to vector<16xi32>
    %sub3A_409 = arith.subi %sub3A_395, %sub3A_408 : vector<16xi32>
    %mul3A_410 = arith.constant 8 : i32
    %mul3A_411 = vector.broadcast %mul3A_410 : i32 to vector<16xi32>
    %mul3A_412 = arith.muli %sub3A_409, %mul3A_411 : vector<16xi32>
    %add3A_413 = arith.addi %min3A_406, %mul3A_412 : vector<16xi32>
    %eq3A_414 = arith.constant 0 : i32
    %eq3A_415 = vector.broadcast %eq3A_414 : i32 to vector<16xi32>
    %eq3A_416 = arith.cmpi eq, %sub3A_395, %eq3A_415 : vector<16xi32>
    %lt3A_417 = arith.cmpi slt, %add3A_413, %gather3A_396 : vector<16xi32>
    %jit3A_418 = arith.constant 2046 : i32
    %broadcast_in_dim3A_419 = vector.broadcast %jit3A_418 : i32 to vector<16xi32>
    %select_n3A_420 = arith.select %lt3A_417, %add3A_413, %broadcast_in_dim3A_419 : vector<16xi1>, vector<16xi32>
    %add3A_421 = arith.constant 1 : i32
    %add3A_422 = vector.broadcast %add3A_421 : i32 to vector<16xi32>
    %add3A_423 = arith.addi %select_n3A_420, %add3A_422 : vector<16xi32>
    %jit3A_424 = arith.constant 0 : i32
    %broadcast_in_dim3A_425 = vector.broadcast %jit3A_424 : i32 to vector<16xi32>
    %select_n3A_426 = arith.select %eq3A_416, %broadcast_in_dim3A_425, %add3A_423 : vector<16xi1>, vector<16xi32>
    %mul3A_427 = arith.constant 2048 : i32
    %mul3A_428 = vector.broadcast %mul3A_427 : i32 to vector<16xi32>
    %mul3A_429 = arith.muli %shift_right_logical3A_391, %mul3A_428 : vector<16xi32>
    %add3A_430 = arith.addi %mul3A_429, %select_n3A_426 : vector<16xi32>
    %mul3A_431 = arith.constant 8 : i32
    %mul3A_432 = arith.muli %mul3A_2, %mul3A_431 : i32
    %add3A_433 = vector.broadcast %mul3A_432 : i32 to vector<16xi32>
    %add3A_434 = arith.addi %add3A_433, %add3A_386 : vector<16xi32>
    %lt3A_435 = vector.broadcast %select_n3A : i32 to vector<16xi32>
    %lt3A_436 = arith.cmpi slt, %add3A_386, %lt3A_435 : vector<16xi32>
    %select_n3A_437 = arith.select %lt3A_436, %add3A_430, %add3A_434 : vector<16xi1>, vector<16xi32>
    %swap3A_438 = arith.constant 1 : i32
    %swap3A_439 = arith.index_cast %swap3A_438 : i32 to index
    %swap3A_440 = arith.constant 32 : index
    %swap3A_441 = tpu.vector_load %arg7[%swap3A_439, %swap3A_440] {strides = array<i32>} : memref<2x64xi32, #tpu.memory_space<vmem>>, vector<16xi32>,
    tpu.vector_store %arg7[%swap3A_439, %swap3A_440], %select_n3A_437 {strides = array<i32>} : memref<2x64xi32, #tpu.memory_space<vmem>>, vector<16xi32>,
    %add3A_442 = arith.constant 112 : i32
    %add3A_443 = vector.broadcast %add3A_442 : i32 to vector<16xi32>
    %add3A_444 = arith.addi %add3A_443, %iota3A : vector<16xi32>
    %add3A_445 = vector.broadcast %mul3A_2 : i32 to vector<16xi32>
    %add3A_446 = arith.addi %add3A_445, %add3A_444 : vector<16xi32>
    %shift_right_logical3A_447 = arith.constant 8 : i32
    %shift_right_logical3A_448 = vector.broadcast %shift_right_logical3A_447 : i32 to vector<16xi32>
    %shift_right_logical3A_449 = arith.shrui %add3A_446, %shift_right_logical3A_448 : vector<16xi32>
    %mul3A_450 = arith.constant 256 : i32
    %mul3A_451 = vector.broadcast %mul3A_450 : i32 to vector<16xi32>
    %mul3A_452 = arith.muli %shift_right_logical3A_449, %mul3A_451 : vector<16xi32>
    %sub3A_453 = arith.subi %add3A_446, %mul3A_452 : vector<16xi32>
    %gather3A_454 = tpu.vector_load_idx %arg6[%shift_right_logical3A_449] : memref<16xi32, #tpu.memory_space<vmem>>[vector<16xi32>], vector<16xi32>,
    %sub3A_455 = arith.constant 1 : i32
    %sub3A_456 = vector.broadcast %sub3A_455 : i32 to vector<16xi32>
    %sub3A_457 = arith.subi %gather3A_454, %sub3A_456 : vector<16xi32>
    %and3A_458 = arith.constant 7 : i32
    %and3A_459 = vector.broadcast %and3A_458 : i32 to vector<16xi32>
    %and3A_460 = arith.andi %gather3A_454, %and3A_459 : vector<16xi32>
    %add3A_461 = arith.constant 7 : i32
    %add3A_462 = vector.broadcast %add3A_461 : i32 to vector<16xi32>
    %add3A_463 = arith.addi %add3A_462, %and3A_460 : vector<16xi32>
    %min3A_464 = arith.minsi %sub3A_457, %add3A_463 : vector<16xi32>
    %sub3A_465 = arith.constant 1 : i32
    %sub3A_466 = vector.broadcast %sub3A_465 : i32 to vector<16xi32>
    %sub3A_467 = arith.subi %sub3A_453, %sub3A_466 : vector<16xi32>
    %mul3A_468 = arith.constant 8 : i32
    %mul3A_469 = vector.broadcast %mul3A_468 : i32 to vector<16xi32>
    %mul3A_470 = arith.muli %sub3A_467, %mul3A_469 : vector<16xi32>
    %add3A_471 = arith.addi %min3A_464, %mul3A_470 : vector<16xi32>
    %eq3A_472 = arith.constant 0 : i32
    %eq3A_473 = vector.broadcast %eq3A_472 : i32 to vector<16xi32>
    %eq3A_474 = arith.cmpi eq, %sub3A_453, %eq3A_473 : vector<16xi32>
    %lt3A_475 = arith.cmpi slt, %add3A_471, %gather3A_454 : vector<16xi32>
    %jit3A_476 = arith.constant 2046 : i32
    %broadcast_in_dim3A_477 = vector.broadcast %jit3A_476 : i32 to vector<16xi32>
    %select_n3A_478 = arith.select %lt3A_475, %add3A_471, %broadcast_in_dim3A_477 : vector<16xi1>, vector<16xi32>
    %add3A_479 = arith.constant 1 : i32
    %add3A_480 = vector.broadcast %add3A_479 : i32 to vector<16xi32>
    %add3A_481 = arith.addi %select_n3A_478, %add3A_480 : vector<16xi32>
    %jit3A_482 = arith.constant 0 : i32
    %broadcast_in_dim3A_483 = vector.broadcast %jit3A_482 : i32 to vector<16xi32>
    %select_n3A_484 = arith.select %eq3A_474, %broadcast_in_dim3A_483, %add3A_481 : vector<16xi1>, vector<16xi32>
    %mul3A_485 = arith.constant 2048 : i32
    %mul3A_486 = vector.broadcast %mul3A_485 : i32 to vector<16xi32>
    %mul3A_487 = arith.muli %shift_right_logical3A_449, %mul3A_486 : vector<16xi32>
    %add3A_488 = arith.addi %mul3A_487, %select_n3A_484 : vector<16xi32>
    %mul3A_489 = arith.constant 8 : i32
    %mul3A_490 = arith.muli %mul3A_2, %mul3A_489 : i32
    %add3A_491 = vector.broadcast %mul3A_490 : i32 to vector<16xi32>
    %add3A_492 = arith.addi %add3A_491, %add3A_444 : vector<16xi32>
    %lt3A_493 = vector.broadcast %select_n3A : i32 to vector<16xi32>
    %lt3A_494 = arith.cmpi slt, %add3A_444, %lt3A_493 : vector<16xi32>
    %select_n3A_495 = arith.select %lt3A_494, %add3A_488, %add3A_492 : vector<16xi1>, vector<16xi32>
    %swap3A_496 = arith.constant 1 : i32
    %swap3A_497 = arith.index_cast %swap3A_496 : i32 to index
    %swap3A_498 = arith.constant 48 : index
    %swap3A_499 = tpu.vector_load %arg7[%swap3A_497, %swap3A_498] {strides = array<i32>} : memref<2x64xi32, #tpu.memory_space<vmem>>, vector<16xi32>,
    tpu.vector_store %arg7[%swap3A_497, %swap3A_498], %select_n3A_495 {strides = array<i32>} : memref<2x64xi32, #tpu.memory_space<vmem>>, vector<16xi32>,
    %dma_start3A_500 = arith.constant 0 : i32
    %dma_start3A_501 = arith.constant 0 : i32
    %dma_start3A_502 = arith.constant 0 : i32
    %dma_start3A_503 = tpu.memref_slice %arg8[%dma_start3A_501, %dma_start3A_502] : memref<128x512xf32, #tpu.memory_space<vmem>> -> memref<64x512xf32, #tpu.memory_space<vmem>>
    %dma_start3A_504 = arith.constant 0 : i32
    %dma_start3A_505 = tpu.memref_slice %arg7[%dma_start3A_500, %dma_start3A_504] : memref<2x64xi32, #tpu.memory_space<vmem>> -> memref<1x64xi32, #tpu.memory_space<vmem>>
    %dma_start3A_506 = tpu.memref_squeeze %dma_start3A_505 : memref<1x64xi32, #tpu.memory_space<vmem>> -> memref<64xi32, #tpu.memory_space<vmem>>
    %dma_start3A_507 = arith.constant 0 : i32
    %dma_start3A_508 = arith.constant 0 : i32
    %dma_start3A_509 = tpu.memref_slice %arg2[%dma_start3A_507, %dma_start3A_508] : memref<32768x512xf32, #tpu.memory_space<hbm>> -> memref<32768x512xf32, #tpu.memory_space<hbm>>
    tpu.enqueue_indirect_dma source(%dma_start3A_509 : memref<32768x512xf32, #tpu.memory_space<hbm>>) target(%dma_start3A_503 : memref<64x512xf32, #tpu.memory_space<vmem>>) offsets(%dma_start3A_506 : memref<64xi32, #tpu.memory_space<vmem>>) semaphore(%arg11 : memref<!tpu.dma_semaphore, #tpu.memory_space<semaphore_mem>>)
    %dma_start3A_510 = arith.constant 1 : i32
    %dma_start3A_511 = arith.constant 64 : i32
    %dma_start3A_512 = arith.constant 0 : i32
    %dma_start3A_513 = tpu.memref_slice %arg8[%dma_start3A_511, %dma_start3A_512] : memref<128x512xf32, #tpu.memory_space<vmem>> -> memref<64x512xf32, #tpu.memory_space<vmem>>
    %dma_start3A_514 = arith.constant 0 : i32
    %dma_start3A_515 = tpu.memref_slice %arg7[%dma_start3A_510, %dma_start3A_514] : memref<2x64xi32, #tpu.memory_space<vmem>> -> memref<1x64xi32, #tpu.memory_space<vmem>>
    %dma_start3A_516 = tpu.memref_squeeze %dma_start3A_515 : memref<1x64xi32, #tpu.memory_space<vmem>> -> memref<64xi32, #tpu.memory_space<vmem>>
    %dma_start3A_517 = arith.constant 0 : i32
    %dma_start3A_518 = arith.constant 0 : i32
    %dma_start3A_519 = tpu.memref_slice %arg2[%dma_start3A_517, %dma_start3A_518] : memref<32768x512xf32, #tpu.memory_space<hbm>> -> memref<32768x512xf32, #tpu.memory_space<hbm>>
    tpu.enqueue_indirect_dma source(%dma_start3A_519 : memref<32768x512xf32, #tpu.memory_space<hbm>>) target(%dma_start3A_513 : memref<64x512xf32, #tpu.memory_space<vmem>>) offsets(%dma_start3A_516 : memref<64xi32, #tpu.memory_space<vmem>>) semaphore(%arg12 : memref<!tpu.dma_semaphore, #tpu.memory_space<semaphore_mem>>)
    %dma_wait3A = arith.constant 0 : i32
    %dma_wait3A_520 = tpu.memref_slice %arg2[%sub3A_9, %dma_wait3A] : memref<32768x512xf32, #tpu.memory_space<hbm>> -> memref<1x512xf32, #tpu.memory_space<hbm>>
    %dma_wait3A_521 = arith.constant 0 : i32
    %dma_wait3A_522 = tpu.memref_slice %arg2[%sub3A_9, %dma_wait3A_521] : memref<32768x512xf32, #tpu.memory_space<hbm>> -> memref<1x512xf32, #tpu.memory_space<hbm>>
    tpu.wait_dma2 semaphore(%arg15 : memref<!tpu.dma_semaphore, #tpu.memory_space<semaphore_mem>>) src(%dma_wait3A_522 : memref<1x512xf32, #tpu.memory_space<hbm>>) dst(%arg9 : memref<1x512xf32, #tpu.memory_space<vmem>>)
    %get3A = arith.constant 0 : i32
    %get3A_523 = arith.index_cast %get3A : i32 to index
    %get3A_524 = arith.constant 0 : index
    %get3A_525 = tpu.vector_load %arg9[%get3A_523, %get3A_524] {strides = array<i32>} : memref<1x512xf32, #tpu.memory_space<vmem>>, vector<16xf32>,
    %get3A_526 = arith.constant 0 : i32
    %get3A_527 = arith.index_cast %get3A_526 : i32 to index
    %get3A_528 = arith.constant 16 : index
    %get3A_529 = tpu.vector_load %arg9[%get3A_527, %get3A_528] {strides = array<i32>} : memref<1x512xf32, #tpu.memory_space<vmem>>, vector<16xf32>,
    %get3A_530 = arith.constant 0 : i32
    %get3A_531 = arith.index_cast %get3A_530 : i32 to index
    %get3A_532 = arith.constant 32 : index
    %get3A_533 = tpu.vector_load %arg9[%get3A_531, %get3A_532] {strides = array<i32>} : memref<1x512xf32, #tpu.memory_space<vmem>>, vector<16xf32>,
    %get3A_534 = arith.constant 0 : i32
    %get3A_535 = arith.index_cast %get3A_534 : i32 to index
    %get3A_536 = arith.constant 48 : index
    %get3A_537 = tpu.vector_load %arg9[%get3A_535, %get3A_536] {strides = array<i32>} : memref<1x512xf32, #tpu.memory_space<vmem>>, vector<16xf32>,
    %get3A_538 = arith.constant 0 : i32
    %get3A_539 = arith.index_cast %get3A_538 : i32 to index
    %get3A_540 = arith.constant 64 : index
    %get3A_541 = tpu.vector_load %arg9[%get3A_539, %get3A_540] {strides = array<i32>} : memref<1x512xf32, #tpu.memory_space<vmem>>, vector<16xf32>,
    %get3A_542 = arith.constant 0 : i32
    %get3A_543 = arith.index_cast %get3A_542 : i32 to index
    %get3A_544 = arith.constant 80 : index
    %get3A_545 = tpu.vector_load %arg9[%get3A_543, %get3A_544] {strides = array<i32>} : memref<1x512xf32, #tpu.memory_space<vmem>>, vector<16xf32>,
    %get3A_546 = arith.constant 0 : i32
    %get3A_547 = arith.index_cast %get3A_546 : i32 to index
    %get3A_548 = arith.constant 96 : index
    %get3A_549 = tpu.vector_load %arg9[%get3A_547, %get3A_548] {strides = array<i32>} : memref<1x512xf32, #tpu.memory_space<vmem>>, vector<16xf32>,
    %get3A_550 = arith.constant 0 : i32
    %get3A_551 = arith.index_cast %get3A_550 : i32 to index
    %get3A_552 = arith.constant 112 : index
    %get3A_553 = tpu.vector_load %arg9[%get3A_551, %get3A_552] {strides = array<i32>} : memref<1x512xf32, #tpu.memory_space<vmem>>, vector<16xf32>,
    %get3A_554 = arith.constant 0 : i32
    %get3A_555 = arith.index_cast %get3A_554 : i32 to index
    %get3A_556 = arith.constant 128 : index
    %get3A_557 = tpu.vector_load %arg9[%get3A_555, %get3A_556] {strides = array<i32>} : memref<1x512xf32, #tpu.memory_space<vmem>>, vector<16xf32>,
    %get3A_558 = arith.constant 0 : i32
    %get3A_559 = arith.index_cast %get3A_558 : i32 to index
    %get3A_560 = arith.constant 144 : index
    %get3A_561 = tpu.vector_load %arg9[%get3A_559, %get3A_560] {strides = array<i32>} : memref<1x512xf32, #tpu.memory_space<vmem>>, vector<16xf32>,
    %get3A_562 = arith.constant 0 : i32
    %get3A_563 = arith.index_cast %get3A_562 : i32 to index
    %get3A_564 = arith.constant 160 : index
    %get3A_565 = tpu.vector_load %arg9[%get3A_563, %get3A_564] {strides = array<i32>} : memref<1x512xf32, #tpu.memory_space<vmem>>, vector<16xf32>,
    %get3A_566 = arith.constant 0 : i32
    %get3A_567 = arith.index_cast %get3A_566 : i32 to index
    %get3A_568 = arith.constant 176 : index
    %get3A_569 = tpu.vector_load %arg9[%get3A_567, %get3A_568] {strides = array<i32>} : memref<1x512xf32, #tpu.memory_space<vmem>>, vector<16xf32>,
    %get3A_570 = arith.constant 0 : i32
    %get3A_571 = arith.index_cast %get3A_570 : i32 to index
    %get3A_572 = arith.constant 192 : index
    %get3A_573 = tpu.vector_load %arg9[%get3A_571, %get3A_572] {strides = array<i32>} : memref<1x512xf32, #tpu.memory_space<vmem>>, vector<16xf32>,
    %get3A_574 = arith.constant 0 : i32
    %get3A_575 = arith.index_cast %get3A_574 : i32 to index
    %get3A_576 = arith.constant 208 : index
    %get3A_577 = tpu.vector_load %arg9[%get3A_575, %get3A_576] {strides = array<i32>} : memref<1x512xf32, #tpu.memory_space<vmem>>, vector<16xf32>,
    %get3A_578 = arith.constant 0 : i32
    %get3A_579 = arith.index_cast %get3A_578 : i32 to index
    %get3A_580 = arith.constant 224 : index
    %get3A_581 = tpu.vector_load %arg9[%get3A_579, %get3A_580] {strides = array<i32>} : memref<1x512xf32, #tpu.memory_space<vmem>>, vector<16xf32>,
    %get3A_582 = arith.constant 0 : i32
    %get3A_583 = arith.index_cast %get3A_582 : i32 to index
    %get3A_584 = arith.constant 240 : index
    %get3A_585 = tpu.vector_load %arg9[%get3A_583, %get3A_584] {strides = array<i32>} : memref<1x512xf32, #tpu.memory_space<vmem>>, vector<16xf32>,
    %get3A_586 = arith.constant 0 : i32
    %get3A_587 = arith.index_cast %get3A_586 : i32 to index
    %get3A_588 = arith.constant 256 : index
    %get3A_589 = tpu.vector_load %arg9[%get3A_587, %get3A_588] {strides = array<i32>} : memref<1x512xf32, #tpu.memory_space<vmem>>, vector<16xf32>,
    %get3A_590 = arith.constant 0 : i32
    %get3A_591 = arith.index_cast %get3A_590 : i32 to index
    %get3A_592 = arith.constant 272 : index
    %get3A_593 = tpu.vector_load %arg9[%get3A_591, %get3A_592] {strides = array<i32>} : memref<1x512xf32, #tpu.memory_space<vmem>>, vector<16xf32>,
    %get3A_594 = arith.constant 0 : i32
    %get3A_595 = arith.index_cast %get3A_594 : i32 to index
    %get3A_596 = arith.constant 288 : index
    %get3A_597 = tpu.vector_load %arg9[%get3A_595, %get3A_596] {strides = array<i32>} : memref<1x512xf32, #tpu.memory_space<vmem>>, vector<16xf32>,
    %get3A_598 = arith.constant 0 : i32
    %get3A_599 = arith.index_cast %get3A_598 : i32 to index
    %get3A_600 = arith.constant 304 : index
    %get3A_601 = tpu.vector_load %arg9[%get3A_599, %get3A_600] {strides = array<i32>} : memref<1x512xf32, #tpu.memory_space<vmem>>, vector<16xf32>,
    %get3A_602 = arith.constant 0 : i32
    %get3A_603 = arith.index_cast %get3A_602 : i32 to index
    %get3A_604 = arith.constant 320 : index
    %get3A_605 = tpu.vector_load %arg9[%get3A_603, %get3A_604] {strides = array<i32>} : memref<1x512xf32, #tpu.memory_space<vmem>>, vector<16xf32>,
    %get3A_606 = arith.constant 0 : i32
    %get3A_607 = arith.index_cast %get3A_606 : i32 to index
    %get3A_608 = arith.constant 336 : index
    %get3A_609 = tpu.vector_load %arg9[%get3A_607, %get3A_608] {strides = array<i32>} : memref<1x512xf32, #tpu.memory_space<vmem>>, vector<16xf32>,
    %get3A_610 = arith.constant 0 : i32
    %get3A_611 = arith.index_cast %get3A_610 : i32 to index
    %get3A_612 = arith.constant 352 : index
    %get3A_613 = tpu.vector_load %arg9[%get3A_611, %get3A_612] {strides = array<i32>} : memref<1x512xf32, #tpu.memory_space<vmem>>, vector<16xf32>,
    %get3A_614 = arith.constant 0 : i32
    %get3A_615 = arith.index_cast %get3A_614 : i32 to index
    %get3A_616 = arith.constant 368 : index
    %get3A_617 = tpu.vector_load %arg9[%get3A_615, %get3A_616] {strides = array<i32>} : memref<1x512xf32, #tpu.memory_space<vmem>>, vector<16xf32>,
    %get3A_618 = arith.constant 0 : i32
    %get3A_619 = arith.index_cast %get3A_618 : i32 to index
    %get3A_620 = arith.constant 384 : index
    %get3A_621 = tpu.vector_load %arg9[%get3A_619, %get3A_620] {strides = array<i32>} : memref<1x512xf32, #tpu.memory_space<vmem>>, vector<16xf32>,
    %get3A_622 = arith.constant 0 : i32
    %get3A_623 = arith.index_cast %get3A_622 : i32 to index
    %get3A_624 = arith.constant 400 : index
    %get3A_625 = tpu.vector_load %arg9[%get3A_623, %get3A_624] {strides = array<i32>} : memref<1x512xf32, #tpu.memory_space<vmem>>, vector<16xf32>,
    %get3A_626 = arith.constant 0 : i32
    %get3A_627 = arith.index_cast %get3A_626 : i32 to index
    %get3A_628 = arith.constant 416 : index
    %get3A_629 = tpu.vector_load %arg9[%get3A_627, %get3A_628] {strides = array<i32>} : memref<1x512xf32, #tpu.memory_space<vmem>>, vector<16xf32>,
    %get3A_630 = arith.constant 0 : i32
    %get3A_631 = arith.index_cast %get3A_630 : i32 to index
    %get3A_632 = arith.constant 432 : index
    %get3A_633 = tpu.vector_load %arg9[%get3A_631, %get3A_632] {strides = array<i32>} : memref<1x512xf32, #tpu.memory_space<vmem>>, vector<16xf32>,
    %get3A_634 = arith.constant 0 : i32
    %get3A_635 = arith.index_cast %get3A_634 : i32 to index
    %get3A_636 = arith.constant 448 : index
    %get3A_637 = tpu.vector_load %arg9[%get3A_635, %get3A_636] {strides = array<i32>} : memref<1x512xf32, #tpu.memory_space<vmem>>, vector<16xf32>,
    %get3A_638 = arith.constant 0 : i32
    %get3A_639 = arith.index_cast %get3A_638 : i32 to index
    %get3A_640 = arith.constant 464 : index
    %get3A_641 = tpu.vector_load %arg9[%get3A_639, %get3A_640] {strides = array<i32>} : memref<1x512xf32, #tpu.memory_space<vmem>>, vector<16xf32>,
    %get3A_642 = arith.constant 0 : i32
    %get3A_643 = arith.index_cast %get3A_642 : i32 to index
    %get3A_644 = arith.constant 480 : index
    %get3A_645 = tpu.vector_load %arg9[%get3A_643, %get3A_644] {strides = array<i32>} : memref<1x512xf32, #tpu.memory_space<vmem>>, vector<16xf32>,
    %get3A_646 = arith.constant 0 : i32
    %get3A_647 = arith.index_cast %get3A_646 : i32 to index
    %get3A_648 = arith.constant 496 : index
    %get3A_649 = tpu.vector_load %arg9[%get3A_647, %get3A_648] {strides = array<i32>} : memref<1x512xf32, #tpu.memory_space<vmem>>, vector<16xf32>,
    %add3A_650 = arith.constant 0 : i32
    %add3A_651 = arith.addi %mul3A_2, %add3A_650 : i32
    %add3A_652 = arith.constant 64 : i32
    %add3A_653 = arith.addi %mul3A_2, %add3A_652 : i32
    %dma_wait3A_654 = arith.constant 0 : i32
    %dma_wait3A_655 = arith.constant 0 : i32
    %dma_wait3A_656 = arith.constant 0 : i32
    %dma_wait3A_657 = tpu.memref_slice %arg8[%dma_wait3A_655, %dma_wait3A_656] : memref<128x512xf32, #tpu.memory_space<vmem>> -> memref<64x512xf32, #tpu.memory_space<vmem>>
    %dma_wait3A_658 = arith.constant 0 : i32
    %dma_wait3A_659 = tpu.memref_slice %arg7[%dma_wait3A_654, %dma_wait3A_658] : memref<2x64xi32, #tpu.memory_space<vmem>> -> memref<1x64xi32, #tpu.memory_space<vmem>>
    %dma_wait3A_660 = tpu.memref_squeeze %dma_wait3A_659 : memref<1x64xi32, #tpu.memory_space<vmem>> -> memref<64xi32, #tpu.memory_space<vmem>>
    %dma_wait3A_661 = arith.constant 0 : i32
    %dma_wait3A_662 = arith.constant 0 : i32
    %dma_wait3A_663 = tpu.memref_slice %arg2[%dma_wait3A_661, %dma_wait3A_662] : memref<32768x512xf32, #tpu.memory_space<hbm>> -> memref<32768x512xf32, #tpu.memory_space<hbm>>
    tpu.wait_indirect_dma semaphore(%arg11 : memref<!tpu.dma_semaphore, #tpu.memory_space<semaphore_mem>>) src(%dma_wait3A_663 : memref<32768x512xf32, #tpu.memory_space<hbm>>) dst(%dma_wait3A_657 : memref<64x512xf32, #tpu.memory_space<vmem>>)
    %sub3A_664 = arith.constant 0 : i32
    %sub3A_665 = arith.subi %select_n3A, %sub3A_664 : i32
    %jit3A_666 = arith.constant 0 : i32
    %jit3A_667 = arith.constant 64 : i32
    %max3A_668 = arith.maxsi %jit3A_666, %sub3A_665 : i32
    %min3A_669 = arith.minsi %jit3A_667, %max3A_668 : i32
    %while3A = arith.constant 0 : i32
    %while3A_670 = arith.constant 64 : i32
    %while3A_671 = arith.subi %while3A_670, %min3A_669 : i32
    %while3A_672 = arith.addi %min3A_669, %while3A_671 : i32
    %while3A_673 = arith.constant 1 : i32
    %while3A_674 = arith.divsi %while3A_671, %while3A_673 : i32
    %while3A_675 = arith.muli %while3A_674, %while3A_673 : i32
    %while3A_676 = arith.addi %min3A_669, %while3A_675 : i32
    %while3A_677 = arith.constant 1 : i32
    scf.for %while3A_748 = %min3A_669 to %while3A_676 step %while3A_677  : i32 {
      %add3A_749 = arith.constant 0 : i32
      %add3A_750 = arith.addi %add3A_749, %while3A_748 : i32
      %swap3A_751 = arith.index_cast %add3A_750 : i32 to index
      %swap3A_752 = arith.constant 0 : index
      %swap3A_753 = tpu.vector_load %arg8[%swap3A_751, %swap3A_752] {strides = array<i32>} : memref<128x512xf32, #tpu.memory_space<vmem>>, vector<16xf32>,
      tpu.vector_store %arg8[%swap3A_751, %swap3A_752], %get3A_525 {strides = array<i32>} : memref<128x512xf32, #tpu.memory_space<vmem>>, vector<16xf32>,
      %add3A_754 = arith.constant 0 : i32
      %add3A_755 = arith.addi %add3A_754, %while3A_748 : i32
      %swap3A_756 = arith.index_cast %add3A_755 : i32 to index
      %swap3A_757 = arith.constant 16 : index
      %swap3A_758 = tpu.vector_load %arg8[%swap3A_756, %swap3A_757] {strides = array<i32>} : memref<128x512xf32, #tpu.memory_space<vmem>>, vector<16xf32>,
      tpu.vector_store %arg8[%swap3A_756, %swap3A_757], %get3A_529 {strides = array<i32>} : memref<128x512xf32, #tpu.memory_space<vmem>>, vector<16xf32>,
      %add3A_759 = arith.constant 0 : i32
      %add3A_760 = arith.addi %add3A_759, %while3A_748 : i32
      %swap3A_761 = arith.index_cast %add3A_760 : i32 to index
      %swap3A_762 = arith.constant 32 : index
      %swap3A_763 = tpu.vector_load %arg8[%swap3A_761, %swap3A_762] {strides = array<i32>} : memref<128x512xf32, #tpu.memory_space<vmem>>, vector<16xf32>,
      tpu.vector_store %arg8[%swap3A_761, %swap3A_762], %get3A_533 {strides = array<i32>} : memref<128x512xf32, #tpu.memory_space<vmem>>, vector<16xf32>,
      %add3A_764 = arith.constant 0 : i32
      %add3A_765 = arith.addi %add3A_764, %while3A_748 : i32
      %swap3A_766 = arith.index_cast %add3A_765 : i32 to index
      %swap3A_767 = arith.constant 48 : index
      %swap3A_768 = tpu.vector_load %arg8[%swap3A_766, %swap3A_767] {strides = array<i32>} : memref<128x512xf32, #tpu.memory_space<vmem>>, vector<16xf32>,
      tpu.vector_store %arg8[%swap3A_766, %swap3A_767], %get3A_537 {strides = array<i32>} : memref<128x512xf32, #tpu.memory_space<vmem>>, vector<16xf32>,
      %add3A_769 = arith.constant 0 : i32
      %add3A_770 = arith.addi %add3A_769, %while3A_748 : i32
      %swap3A_771 = arith.index_cast %add3A_770 : i32 to index
      %swap3A_772 = arith.constant 64 : index
      %swap3A_773 = tpu.vector_load %arg8[%swap3A_771, %swap3A_772] {strides = array<i32>} : memref<128x512xf32, #tpu.memory_space<vmem>>, vector<16xf32>,
      tpu.vector_store %arg8[%swap3A_771, %swap3A_772], %get3A_541 {strides = array<i32>} : memref<128x512xf32, #tpu.memory_space<vmem>>, vector<16xf32>,
      %add3A_774 = arith.constant 0 : i32
      %add3A_775 = arith.addi %add3A_774, %while3A_748 : i32
      %swap3A_776 = arith.index_cast %add3A_775 : i32 to index
      %swap3A_777 = arith.constant 80 : index
      %swap3A_778 = tpu.vector_load %arg8[%swap3A_776, %swap3A_777] {strides = array<i32>} : memref<128x512xf32, #tpu.memory_space<vmem>>, vector<16xf32>,
      tpu.vector_store %arg8[%swap3A_776, %swap3A_777], %get3A_545 {strides = array<i32>} : memref<128x512xf32, #tpu.memory_space<vmem>>, vector<16xf32>,
      %add3A_779 = arith.constant 0 : i32
      %add3A_780 = arith.addi %add3A_779, %while3A_748 : i32
      %swap3A_781 = arith.index_cast %add3A_780 : i32 to index
      %swap3A_782 = arith.constant 96 : index
      %swap3A_783 = tpu.vector_load %arg8[%swap3A_781, %swap3A_782] {strides = array<i32>} : memref<128x512xf32, #tpu.memory_space<vmem>>, vector<16xf32>,
      tpu.vector_store %arg8[%swap3A_781, %swap3A_782], %get3A_549 {strides = array<i32>} : memref<128x512xf32, #tpu.memory_space<vmem>>, vector<16xf32>,
      %add3A_784 = arith.constant 0 : i32
      %add3A_785 = arith.addi %add3A_784, %while3A_748 : i32
      %swap3A_786 = arith.index_cast %add3A_785 : i32 to index
      %swap3A_787 = arith.constant 112 : index
      %swap3A_788 = tpu.vector_load %arg8[%swap3A_786, %swap3A_787] {strides = array<i32>} : memref<128x512xf32, #tpu.memory_space<vmem>>, vector<16xf32>,
      tpu.vector_store %arg8[%swap3A_786, %swap3A_787], %get3A_553 {strides = array<i32>} : memref<128x512xf32, #tpu.memory_space<vmem>>, vector<16xf32>,
      %add3A_789 = arith.constant 0 : i32
      %add3A_790 = arith.addi %add3A_789, %while3A_748 : i32
      %swap3A_791 = arith.index_cast %add3A_790 : i32 to index
      %swap3A_792 = arith.constant 128 : index
      %swap3A_793 = tpu.vector_load %arg8[%swap3A_791, %swap3A_792] {strides = array<i32>} : memref<128x512xf32, #tpu.memory_space<vmem>>, vector<16xf32>,
      tpu.vector_store %arg8[%swap3A_791, %swap3A_792], %get3A_557 {strides = array<i32>} : memref<128x512xf32, #tpu.memory_space<vmem>>, vector<16xf32>,
      %add3A_794 = arith.constant 0 : i32
      %add3A_795 = arith.addi %add3A_794, %while3A_748 : i32
      %swap3A_796 = arith.index_cast %add3A_795 : i32 to index
      %swap3A_797 = arith.constant 144 : index
      %swap3A_798 = tpu.vector_load %arg8[%swap3A_796, %swap3A_797] {strides = array<i32>} : memref<128x512xf32, #tpu.memory_space<vmem>>, vector<16xf32>,
      tpu.vector_store %arg8[%swap3A_796, %swap3A_797], %get3A_561 {strides = array<i32>} : memref<128x512xf32, #tpu.memory_space<vmem>>, vector<16xf32>,
      %add3A_799 = arith.constant 0 : i32
      %add3A_800 = arith.addi %add3A_799, %while3A_748 : i32
      %swap3A_801 = arith.index_cast %add3A_800 : i32 to index
      %swap3A_802 = arith.constant 160 : index
      %swap3A_803 = tpu.vector_load %arg8[%swap3A_801, %swap3A_802] {strides = array<i32>} : memref<128x512xf32, #tpu.memory_space<vmem>>, vector<16xf32>,
      tpu.vector_store %arg8[%swap3A_801, %swap3A_802], %get3A_565 {strides = array<i32>} : memref<128x512xf32, #tpu.memory_space<vmem>>, vector<16xf32>,
      %add3A_804 = arith.constant 0 : i32
      %add3A_805 = arith.addi %add3A_804, %while3A_748 : i32
      %swap3A_806 = arith.index_cast %add3A_805 : i32 to index
      %swap3A_807 = arith.constant 176 : index
      %swap3A_808 = tpu.vector_load %arg8[%swap3A_806, %swap3A_807] {strides = array<i32>} : memref<128x512xf32, #tpu.memory_space<vmem>>, vector<16xf32>,
      tpu.vector_store %arg8[%swap3A_806, %swap3A_807], %get3A_569 {strides = array<i32>} : memref<128x512xf32, #tpu.memory_space<vmem>>, vector<16xf32>,
      %add3A_809 = arith.constant 0 : i32
      %add3A_810 = arith.addi %add3A_809, %while3A_748 : i32
      %swap3A_811 = arith.index_cast %add3A_810 : i32 to index
      %swap3A_812 = arith.constant 192 : index
      %swap3A_813 = tpu.vector_load %arg8[%swap3A_811, %swap3A_812] {strides = array<i32>} : memref<128x512xf32, #tpu.memory_space<vmem>>, vector<16xf32>,
      tpu.vector_store %arg8[%swap3A_811, %swap3A_812], %get3A_573 {strides = array<i32>} : memref<128x512xf32, #tpu.memory_space<vmem>>, vector<16xf32>,
      %add3A_814 = arith.constant 0 : i32
      %add3A_815 = arith.addi %add3A_814, %while3A_748 : i32
      %swap3A_816 = arith.index_cast %add3A_815 : i32 to index
      %swap3A_817 = arith.constant 208 : index
      %swap3A_818 = tpu.vector_load %arg8[%swap3A_816, %swap3A_817] {strides = array<i32>} : memref<128x512xf32, #tpu.memory_space<vmem>>, vector<16xf32>,
      tpu.vector_store %arg8[%swap3A_816, %swap3A_817], %get3A_577 {strides = array<i32>} : memref<128x512xf32, #tpu.memory_space<vmem>>, vector<16xf32>,
      %add3A_819 = arith.constant 0 : i32
      %add3A_820 = arith.addi %add3A_819, %while3A_748 : i32
      %swap3A_821 = arith.index_cast %add3A_820 : i32 to index
      %swap3A_822 = arith.constant 224 : index
      %swap3A_823 = tpu.vector_load %arg8[%swap3A_821, %swap3A_822] {strides = array<i32>} : memref<128x512xf32, #tpu.memory_space<vmem>>, vector<16xf32>,
      tpu.vector_store %arg8[%swap3A_821, %swap3A_822], %get3A_581 {strides = array<i32>} : memref<128x512xf32, #tpu.memory_space<vmem>>, vector<16xf32>,
      %add3A_824 = arith.constant 0 : i32
      %add3A_825 = arith.addi %add3A_824, %while3A_748 : i32
      %swap3A_826 = arith.index_cast %add3A_825 : i32 to index
      %swap3A_827 = arith.constant 240 : index
      %swap3A_828 = tpu.vector_load %arg8[%swap3A_826, %swap3A_827] {strides = array<i32>} : memref<128x512xf32, #tpu.memory_space<vmem>>, vector<16xf32>,
      tpu.vector_store %arg8[%swap3A_826, %swap3A_827], %get3A_585 {strides = array<i32>} : memref<128x512xf32, #tpu.memory_space<vmem>>, vector<16xf32>,
      %add3A_829 = arith.constant 0 : i32
      %add3A_830 = arith.addi %add3A_829, %while3A_748 : i32
      %swap3A_831 = arith.index_cast %add3A_830 : i32 to index
      %swap3A_832 = arith.constant 256 : index
      %swap3A_833 = tpu.vector_load %arg8[%swap3A_831, %swap3A_832] {strides = array<i32>} : memref<128x512xf32, #tpu.memory_space<vmem>>, vector<16xf32>,
      tpu.vector_store %arg8[%swap3A_831, %swap3A_832], %get3A_589 {strides = array<i32>} : memref<128x512xf32, #tpu.memory_space<vmem>>, vector<16xf32>,
      %add3A_834 = arith.constant 0 : i32
      %add3A_835 = arith.addi %add3A_834, %while3A_748 : i32
      %swap3A_836 = arith.index_cast %add3A_835 : i32 to index
      %swap3A_837 = arith.constant 272 : index
      %swap3A_838 = tpu.vector_load %arg8[%swap3A_836, %swap3A_837] {strides = array<i32>} : memref<128x512xf32, #tpu.memory_space<vmem>>, vector<16xf32>,
      tpu.vector_store %arg8[%swap3A_836, %swap3A_837], %get3A_593 {strides = array<i32>} : memref<128x512xf32, #tpu.memory_space<vmem>>, vector<16xf32>,
      %add3A_839 = arith.constant 0 : i32
      %add3A_840 = arith.addi %add3A_839, %while3A_748 : i32
      %swap3A_841 = arith.index_cast %add3A_840 : i32 to index
      %swap3A_842 = arith.constant 288 : index
      %swap3A_843 = tpu.vector_load %arg8[%swap3A_841, %swap3A_842] {strides = array<i32>} : memref<128x512xf32, #tpu.memory_space<vmem>>, vector<16xf32>,
      tpu.vector_store %arg8[%swap3A_841, %swap3A_842], %get3A_597 {strides = array<i32>} : memref<128x512xf32, #tpu.memory_space<vmem>>, vector<16xf32>,
      %add3A_844 = arith.constant 0 : i32
      %add3A_845 = arith.addi %add3A_844, %while3A_748 : i32
      %swap3A_846 = arith.index_cast %add3A_845 : i32 to index
      %swap3A_847 = arith.constant 304 : index
      %swap3A_848 = tpu.vector_load %arg8[%swap3A_846, %swap3A_847] {strides = array<i32>} : memref<128x512xf32, #tpu.memory_space<vmem>>, vector<16xf32>,
      tpu.vector_store %arg8[%swap3A_846, %swap3A_847], %get3A_601 {strides = array<i32>} : memref<128x512xf32, #tpu.memory_space<vmem>>, vector<16xf32>,
      %add3A_849 = arith.constant 0 : i32
      %add3A_850 = arith.addi %add3A_849, %while3A_748 : i32
      %swap3A_851 = arith.index_cast %add3A_850 : i32 to index
      %swap3A_852 = arith.constant 320 : index
      %swap3A_853 = tpu.vector_load %arg8[%swap3A_851, %swap3A_852] {strides = array<i32>} : memref<128x512xf32, #tpu.memory_space<vmem>>, vector<16xf32>,
      tpu.vector_store %arg8[%swap3A_851, %swap3A_852], %get3A_605 {strides = array<i32>} : memref<128x512xf32, #tpu.memory_space<vmem>>, vector<16xf32>,
      %add3A_854 = arith.constant 0 : i32
      %add3A_855 = arith.addi %add3A_854, %while3A_748 : i32
      %swap3A_856 = arith.index_cast %add3A_855 : i32 to index
      %swap3A_857 = arith.constant 336 : index
      %swap3A_858 = tpu.vector_load %arg8[%swap3A_856, %swap3A_857] {strides = array<i32>} : memref<128x512xf32, #tpu.memory_space<vmem>>, vector<16xf32>,
      tpu.vector_store %arg8[%swap3A_856, %swap3A_857], %get3A_609 {strides = array<i32>} : memref<128x512xf32, #tpu.memory_space<vmem>>, vector<16xf32>,
      %add3A_859 = arith.constant 0 : i32
      %add3A_860 = arith.addi %add3A_859, %while3A_748 : i32
      %swap3A_861 = arith.index_cast %add3A_860 : i32 to index
      %swap3A_862 = arith.constant 352 : index
      %swap3A_863 = tpu.vector_load %arg8[%swap3A_861, %swap3A_862] {strides = array<i32>} : memref<128x512xf32, #tpu.memory_space<vmem>>, vector<16xf32>,
      tpu.vector_store %arg8[%swap3A_861, %swap3A_862], %get3A_613 {strides = array<i32>} : memref<128x512xf32, #tpu.memory_space<vmem>>, vector<16xf32>,
      %add3A_864 = arith.constant 0 : i32
      %add3A_865 = arith.addi %add3A_864, %while3A_748 : i32
      %swap3A_866 = arith.index_cast %add3A_865 : i32 to index
      %swap3A_867 = arith.constant 368 : index
      %swap3A_868 = tpu.vector_load %arg8[%swap3A_866, %swap3A_867] {strides = array<i32>} : memref<128x512xf32, #tpu.memory_space<vmem>>, vector<16xf32>,
      tpu.vector_store %arg8[%swap3A_866, %swap3A_867], %get3A_617 {strides = array<i32>} : memref<128x512xf32, #tpu.memory_space<vmem>>, vector<16xf32>,
      %add3A_869 = arith.constant 0 : i32
      %add3A_870 = arith.addi %add3A_869, %while3A_748 : i32
      %swap3A_871 = arith.index_cast %add3A_870 : i32 to index
      %swap3A_872 = arith.constant 384 : index
      %swap3A_873 = tpu.vector_load %arg8[%swap3A_871, %swap3A_872] {strides = array<i32>} : memref<128x512xf32, #tpu.memory_space<vmem>>, vector<16xf32>,
      tpu.vector_store %arg8[%swap3A_871, %swap3A_872], %get3A_621 {strides = array<i32>} : memref<128x512xf32, #tpu.memory_space<vmem>>, vector<16xf32>,
      %add3A_874 = arith.constant 0 : i32
      %add3A_875 = arith.addi %add3A_874, %while3A_748 : i32
      %swap3A_876 = arith.index_cast %add3A_875 : i32 to index
      %swap3A_877 = arith.constant 400 : index
      %swap3A_878 = tpu.vector_load %arg8[%swap3A_876, %swap3A_877] {strides = array<i32>} : memref<128x512xf32, #tpu.memory_space<vmem>>, vector<16xf32>,
      tpu.vector_store %arg8[%swap3A_876, %swap3A_877], %get3A_625 {strides = array<i32>} : memref<128x512xf32, #tpu.memory_space<vmem>>, vector<16xf32>,
      %add3A_879 = arith.constant 0 : i32
      %add3A_880 = arith.addi %add3A_879, %while3A_748 : i32
      %swap3A_881 = arith.index_cast %add3A_880 : i32 to index
      %swap3A_882 = arith.constant 416 : index
      %swap3A_883 = tpu.vector_load %arg8[%swap3A_881, %swap3A_882] {strides = array<i32>} : memref<128x512xf32, #tpu.memory_space<vmem>>, vector<16xf32>,
      tpu.vector_store %arg8[%swap3A_881, %swap3A_882], %get3A_629 {strides = array<i32>} : memref<128x512xf32, #tpu.memory_space<vmem>>, vector<16xf32>,
      %add3A_884 = arith.constant 0 : i32
      %add3A_885 = arith.addi %add3A_884, %while3A_748 : i32
      %swap3A_886 = arith.index_cast %add3A_885 : i32 to index
      %swap3A_887 = arith.constant 432 : index
      %swap3A_888 = tpu.vector_load %arg8[%swap3A_886, %swap3A_887] {strides = array<i32>} : memref<128x512xf32, #tpu.memory_space<vmem>>, vector<16xf32>,
      tpu.vector_store %arg8[%swap3A_886, %swap3A_887], %get3A_633 {strides = array<i32>} : memref<128x512xf32, #tpu.memory_space<vmem>>, vector<16xf32>,
      %add3A_889 = arith.constant 0 : i32
      %add3A_890 = arith.addi %add3A_889, %while3A_748 : i32
      %swap3A_891 = arith.index_cast %add3A_890 : i32 to index
      %swap3A_892 = arith.constant 448 : index
      %swap3A_893 = tpu.vector_load %arg8[%swap3A_891, %swap3A_892] {strides = array<i32>} : memref<128x512xf32, #tpu.memory_space<vmem>>, vector<16xf32>,
      tpu.vector_store %arg8[%swap3A_891, %swap3A_892], %get3A_637 {strides = array<i32>} : memref<128x512xf32, #tpu.memory_space<vmem>>, vector<16xf32>,
      %add3A_894 = arith.constant 0 : i32
      %add3A_895 = arith.addi %add3A_894, %while3A_748 : i32
      %swap3A_896 = arith.index_cast %add3A_895 : i32 to index
      %swap3A_897 = arith.constant 464 : index
      %swap3A_898 = tpu.vector_load %arg8[%swap3A_896, %swap3A_897] {strides = array<i32>} : memref<128x512xf32, #tpu.memory_space<vmem>>, vector<16xf32>,
      tpu.vector_store %arg8[%swap3A_896, %swap3A_897], %get3A_641 {strides = array<i32>} : memref<128x512xf32, #tpu.memory_space<vmem>>, vector<16xf32>,
      %add3A_899 = arith.constant 0 : i32
      %add3A_900 = arith.addi %add3A_899, %while3A_748 : i32
      %swap3A_901 = arith.index_cast %add3A_900 : i32 to index
      %swap3A_902 = arith.constant 480 : index
      %swap3A_903 = tpu.vector_load %arg8[%swap3A_901, %swap3A_902] {strides = array<i32>} : memref<128x512xf32, #tpu.memory_space<vmem>>, vector<16xf32>,
      tpu.vector_store %arg8[%swap3A_901, %swap3A_902], %get3A_645 {strides = array<i32>} : memref<128x512xf32, #tpu.memory_space<vmem>>, vector<16xf32>,
      %add3A_904 = arith.constant 0 : i32
      %add3A_905 = arith.addi %add3A_904, %while3A_748 : i32
      %swap3A_906 = arith.index_cast %add3A_905 : i32 to index
      %swap3A_907 = arith.constant 496 : index
      %swap3A_908 = tpu.vector_load %arg8[%swap3A_906, %swap3A_907] {strides = array<i32>} : memref<128x512xf32, #tpu.memory_space<vmem>>, vector<16xf32>,
      tpu.vector_store %arg8[%swap3A_906, %swap3A_907], %get3A_649 {strides = array<i32>} : memref<128x512xf32, #tpu.memory_space<vmem>>, vector<16xf32>,
    }
    %while3A_678 = arith.constant 1 : i32
    scf.for %while3A_748 = %while3A_676 to %while3A_672 step %while3A_678  : i32 {
      %add3A_749 = arith.constant 0 : i32
      %add3A_750 = arith.addi %add3A_749, %while3A_748 : i32
      %swap3A_751 = arith.index_cast %add3A_750 : i32 to index
      %swap3A_752 = arith.constant 0 : index
      %swap3A_753 = tpu.vector_load %arg8[%swap3A_751, %swap3A_752] {strides = array<i32>} : memref<128x512xf32, #tpu.memory_space<vmem>>, vector<16xf32>,
      tpu.vector_store %arg8[%swap3A_751, %swap3A_752], %get3A_525 {strides = array<i32>} : memref<128x512xf32, #tpu.memory_space<vmem>>, vector<16xf32>,
      %add3A_754 = arith.constant 0 : i32
      %add3A_755 = arith.addi %add3A_754, %while3A_748 : i32
      %swap3A_756 = arith.index_cast %add3A_755 : i32 to index
      %swap3A_757 = arith.constant 16 : index
      %swap3A_758 = tpu.vector_load %arg8[%swap3A_756, %swap3A_757] {strides = array<i32>} : memref<128x512xf32, #tpu.memory_space<vmem>>, vector<16xf32>,
      tpu.vector_store %arg8[%swap3A_756, %swap3A_757], %get3A_529 {strides = array<i32>} : memref<128x512xf32, #tpu.memory_space<vmem>>, vector<16xf32>,
      %add3A_759 = arith.constant 0 : i32
      %add3A_760 = arith.addi %add3A_759, %while3A_748 : i32
      %swap3A_761 = arith.index_cast %add3A_760 : i32 to index
      %swap3A_762 = arith.constant 32 : index
      %swap3A_763 = tpu.vector_load %arg8[%swap3A_761, %swap3A_762] {strides = array<i32>} : memref<128x512xf32, #tpu.memory_space<vmem>>, vector<16xf32>,
      tpu.vector_store %arg8[%swap3A_761, %swap3A_762], %get3A_533 {strides = array<i32>} : memref<128x512xf32, #tpu.memory_space<vmem>>, vector<16xf32>,
      %add3A_764 = arith.constant 0 : i32
      %add3A_765 = arith.addi %add3A_764, %while3A_748 : i32
      %swap3A_766 = arith.index_cast %add3A_765 : i32 to index
      %swap3A_767 = arith.constant 48 : index
      %swap3A_768 = tpu.vector_load %arg8[%swap3A_766, %swap3A_767] {strides = array<i32>} : memref<128x512xf32, #tpu.memory_space<vmem>>, vector<16xf32>,
      tpu.vector_store %arg8[%swap3A_766, %swap3A_767], %get3A_537 {strides = array<i32>} : memref<128x512xf32, #tpu.memory_space<vmem>>, vector<16xf32>,
      %add3A_769 = arith.constant 0 : i32
      %add3A_770 = arith.addi %add3A_769, %while3A_748 : i32
      %swap3A_771 = arith.index_cast %add3A_770 : i32 to index
      %swap3A_772 = arith.constant 64 : index
      %swap3A_773 = tpu.vector_load %arg8[%swap3A_771, %swap3A_772] {strides = array<i32>} : memref<128x512xf32, #tpu.memory_space<vmem>>, vector<16xf32>,
      tpu.vector_store %arg8[%swap3A_771, %swap3A_772], %get3A_541 {strides = array<i32>} : memref<128x512xf32, #tpu.memory_space<vmem>>, vector<16xf32>,
      %add3A_774 = arith.constant 0 : i32
      %add3A_775 = arith.addi %add3A_774, %while3A_748 : i32
      %swap3A_776 = arith.index_cast %add3A_775 : i32 to index
      %swap3A_777 = arith.constant 80 : index
      %swap3A_778 = tpu.vector_load %arg8[%swap3A_776, %swap3A_777] {strides = array<i32>} : memref<128x512xf32, #tpu.memory_space<vmem>>, vector<16xf32>,
      tpu.vector_store %arg8[%swap3A_776, %swap3A_777], %get3A_545 {strides = array<i32>} : memref<128x512xf32, #tpu.memory_space<vmem>>, vector<16xf32>,
      %add3A_779 = arith.constant 0 : i32
      %add3A_780 = arith.addi %add3A_779, %while3A_748 : i32
      %swap3A_781 = arith.index_cast %add3A_780 : i32 to index
      %swap3A_782 = arith.constant 96 : index
      %swap3A_783 = tpu.vector_load %arg8[%swap3A_781, %swap3A_782] {strides = array<i32>} : memref<128x512xf32, #tpu.memory_space<vmem>>, vector<16xf32>,
      tpu.vector_store %arg8[%swap3A_781, %swap3A_782], %get3A_549 {strides = array<i32>} : memref<128x512xf32, #tpu.memory_space<vmem>>, vector<16xf32>,
      %add3A_784 = arith.constant 0 : i32
      %add3A_785 = arith.addi %add3A_784, %while3A_748 : i32
      %swap3A_786 = arith.index_cast %add3A_785 : i32 to index
      %swap3A_787 = arith.constant 112 : index
      %swap3A_788 = tpu.vector_load %arg8[%swap3A_786, %swap3A_787] {strides = array<i32>} : memref<128x512xf32, #tpu.memory_space<vmem>>, vector<16xf32>,
      tpu.vector_store %arg8[%swap3A_786, %swap3A_787], %get3A_553 {strides = array<i32>} : memref<128x512xf32, #tpu.memory_space<vmem>>, vector<16xf32>,
      %add3A_789 = arith.constant 0 : i32
      %add3A_790 = arith.addi %add3A_789, %while3A_748 : i32
      %swap3A_791 = arith.index_cast %add3A_790 : i32 to index
      %swap3A_792 = arith.constant 128 : index
      %swap3A_793 = tpu.vector_load %arg8[%swap3A_791, %swap3A_792] {strides = array<i32>} : memref<128x512xf32, #tpu.memory_space<vmem>>, vector<16xf32>,
      tpu.vector_store %arg8[%swap3A_791, %swap3A_792], %get3A_557 {strides = array<i32>} : memref<128x512xf32, #tpu.memory_space<vmem>>, vector<16xf32>,
      %add3A_794 = arith.constant 0 : i32
      %add3A_795 = arith.addi %add3A_794, %while3A_748 : i32
      %swap3A_796 = arith.index_cast %add3A_795 : i32 to index
      %swap3A_797 = arith.constant 144 : index
      %swap3A_798 = tpu.vector_load %arg8[%swap3A_796, %swap3A_797] {strides = array<i32>} : memref<128x512xf32, #tpu.memory_space<vmem>>, vector<16xf32>,
      tpu.vector_store %arg8[%swap3A_796, %swap3A_797], %get3A_561 {strides = array<i32>} : memref<128x512xf32, #tpu.memory_space<vmem>>, vector<16xf32>,
      %add3A_799 = arith.constant 0 : i32
      %add3A_800 = arith.addi %add3A_799, %while3A_748 : i32
      %swap3A_801 = arith.index_cast %add3A_800 : i32 to index
      %swap3A_802 = arith.constant 160 : index
      %swap3A_803 = tpu.vector_load %arg8[%swap3A_801, %swap3A_802] {strides = array<i32>} : memref<128x512xf32, #tpu.memory_space<vmem>>, vector<16xf32>,
      tpu.vector_store %arg8[%swap3A_801, %swap3A_802], %get3A_565 {strides = array<i32>} : memref<128x512xf32, #tpu.memory_space<vmem>>, vector<16xf32>,
      %add3A_804 = arith.constant 0 : i32
      %add3A_805 = arith.addi %add3A_804, %while3A_748 : i32
      %swap3A_806 = arith.index_cast %add3A_805 : i32 to index
      %swap3A_807 = arith.constant 176 : index
      %swap3A_808 = tpu.vector_load %arg8[%swap3A_806, %swap3A_807] {strides = array<i32>} : memref<128x512xf32, #tpu.memory_space<vmem>>, vector<16xf32>,
      tpu.vector_store %arg8[%swap3A_806, %swap3A_807], %get3A_569 {strides = array<i32>} : memref<128x512xf32, #tpu.memory_space<vmem>>, vector<16xf32>,
      %add3A_809 = arith.constant 0 : i32
      %add3A_810 = arith.addi %add3A_809, %while3A_748 : i32
      %swap3A_811 = arith.index_cast %add3A_810 : i32 to index
      %swap3A_812 = arith.constant 192 : index
      %swap3A_813 = tpu.vector_load %arg8[%swap3A_811, %swap3A_812] {strides = array<i32>} : memref<128x512xf32, #tpu.memory_space<vmem>>, vector<16xf32>,
      tpu.vector_store %arg8[%swap3A_811, %swap3A_812], %get3A_573 {strides = array<i32>} : memref<128x512xf32, #tpu.memory_space<vmem>>, vector<16xf32>,
      %add3A_814 = arith.constant 0 : i32
      %add3A_815 = arith.addi %add3A_814, %while3A_748 : i32
      %swap3A_816 = arith.index_cast %add3A_815 : i32 to index
      %swap3A_817 = arith.constant 208 : index
      %swap3A_818 = tpu.vector_load %arg8[%swap3A_816, %swap3A_817] {strides = array<i32>} : memref<128x512xf32, #tpu.memory_space<vmem>>, vector<16xf32>,
      tpu.vector_store %arg8[%swap3A_816, %swap3A_817], %get3A_577 {strides = array<i32>} : memref<128x512xf32, #tpu.memory_space<vmem>>, vector<16xf32>,
      %add3A_819 = arith.constant 0 : i32
      %add3A_820 = arith.addi %add3A_819, %while3A_748 : i32
      %swap3A_821 = arith.index_cast %add3A_820 : i32 to index
      %swap3A_822 = arith.constant 224 : index
      %swap3A_823 = tpu.vector_load %arg8[%swap3A_821, %swap3A_822] {strides = array<i32>} : memref<128x512xf32, #tpu.memory_space<vmem>>, vector<16xf32>,
      tpu.vector_store %arg8[%swap3A_821, %swap3A_822], %get3A_581 {strides = array<i32>} : memref<128x512xf32, #tpu.memory_space<vmem>>, vector<16xf32>,
      %add3A_824 = arith.constant 0 : i32
      %add3A_825 = arith.addi %add3A_824, %while3A_748 : i32
      %swap3A_826 = arith.index_cast %add3A_825 : i32 to index
      %swap3A_827 = arith.constant 240 : index
      %swap3A_828 = tpu.vector_load %arg8[%swap3A_826, %swap3A_827] {strides = array<i32>} : memref<128x512xf32, #tpu.memory_space<vmem>>, vector<16xf32>,
      tpu.vector_store %arg8[%swap3A_826, %swap3A_827], %get3A_585 {strides = array<i32>} : memref<128x512xf32, #tpu.memory_space<vmem>>, vector<16xf32>,
      %add3A_829 = arith.constant 0 : i32
      %add3A_830 = arith.addi %add3A_829, %while3A_748 : i32
      %swap3A_831 = arith.index_cast %add3A_830 : i32 to index
      %swap3A_832 = arith.constant 256 : index
      %swap3A_833 = tpu.vector_load %arg8[%swap3A_831, %swap3A_832] {strides = array<i32>} : memref<128x512xf32, #tpu.memory_space<vmem>>, vector<16xf32>,
      tpu.vector_store %arg8[%swap3A_831, %swap3A_832], %get3A_589 {strides = array<i32>} : memref<128x512xf32, #tpu.memory_space<vmem>>, vector<16xf32>,
      %add3A_834 = arith.constant 0 : i32
      %add3A_835 = arith.addi %add3A_834, %while3A_748 : i32
      %swap3A_836 = arith.index_cast %add3A_835 : i32 to index
      %swap3A_837 = arith.constant 272 : index
      %swap3A_838 = tpu.vector_load %arg8[%swap3A_836, %swap3A_837] {strides = array<i32>} : memref<128x512xf32, #tpu.memory_space<vmem>>, vector<16xf32>,
      tpu.vector_store %arg8[%swap3A_836, %swap3A_837], %get3A_593 {strides = array<i32>} : memref<128x512xf32, #tpu.memory_space<vmem>>, vector<16xf32>,
      %add3A_839 = arith.constant 0 : i32
      %add3A_840 = arith.addi %add3A_839, %while3A_748 : i32
      %swap3A_841 = arith.index_cast %add3A_840 : i32 to index
      %swap3A_842 = arith.constant 288 : index
      %swap3A_843 = tpu.vector_load %arg8[%swap3A_841, %swap3A_842] {strides = array<i32>} : memref<128x512xf32, #tpu.memory_space<vmem>>, vector<16xf32>,
      tpu.vector_store %arg8[%swap3A_841, %swap3A_842], %get3A_597 {strides = array<i32>} : memref<128x512xf32, #tpu.memory_space<vmem>>, vector<16xf32>,
      %add3A_844 = arith.constant 0 : i32
      %add3A_845 = arith.addi %add3A_844, %while3A_748 : i32
      %swap3A_846 = arith.index_cast %add3A_845 : i32 to index
      %swap3A_847 = arith.constant 304 : index
      %swap3A_848 = tpu.vector_load %arg8[%swap3A_846, %swap3A_847] {strides = array<i32>} : memref<128x512xf32, #tpu.memory_space<vmem>>, vector<16xf32>,
      tpu.vector_store %arg8[%swap3A_846, %swap3A_847], %get3A_601 {strides = array<i32>} : memref<128x512xf32, #tpu.memory_space<vmem>>, vector<16xf32>,
      %add3A_849 = arith.constant 0 : i32
      %add3A_850 = arith.addi %add3A_849, %while3A_748 : i32
      %swap3A_851 = arith.index_cast %add3A_850 : i32 to index
      %swap3A_852 = arith.constant 320 : index
      %swap3A_853 = tpu.vector_load %arg8[%swap3A_851, %swap3A_852] {strides = array<i32>} : memref<128x512xf32, #tpu.memory_space<vmem>>, vector<16xf32>,
      tpu.vector_store %arg8[%swap3A_851, %swap3A_852], %get3A_605 {strides = array<i32>} : memref<128x512xf32, #tpu.memory_space<vmem>>, vector<16xf32>,
      %add3A_854 = arith.constant 0 : i32
      %add3A_855 = arith.addi %add3A_854, %while3A_748 : i32
      %swap3A_856 = arith.index_cast %add3A_855 : i32 to index
      %swap3A_857 = arith.constant 336 : index
      %swap3A_858 = tpu.vector_load %arg8[%swap3A_856, %swap3A_857] {strides = array<i32>} : memref<128x512xf32, #tpu.memory_space<vmem>>, vector<16xf32>,
      tpu.vector_store %arg8[%swap3A_856, %swap3A_857], %get3A_609 {strides = array<i32>} : memref<128x512xf32, #tpu.memory_space<vmem>>, vector<16xf32>,
      %add3A_859 = arith.constant 0 : i32
      %add3A_860 = arith.addi %add3A_859, %while3A_748 : i32
      %swap3A_861 = arith.index_cast %add3A_860 : i32 to index
      %swap3A_862 = arith.constant 352 : index
      %swap3A_863 = tpu.vector_load %arg8[%swap3A_861, %swap3A_862] {strides = array<i32>} : memref<128x512xf32, #tpu.memory_space<vmem>>, vector<16xf32>,
      tpu.vector_store %arg8[%swap3A_861, %swap3A_862], %get3A_613 {strides = array<i32>} : memref<128x512xf32, #tpu.memory_space<vmem>>, vector<16xf32>,
      %add3A_864 = arith.constant 0 : i32
      %add3A_865 = arith.addi %add3A_864, %while3A_748 : i32
      %swap3A_866 = arith.index_cast %add3A_865 : i32 to index
      %swap3A_867 = arith.constant 368 : index
      %swap3A_868 = tpu.vector_load %arg8[%swap3A_866, %swap3A_867] {strides = array<i32>} : memref<128x512xf32, #tpu.memory_space<vmem>>, vector<16xf32>,
      tpu.vector_store %arg8[%swap3A_866, %swap3A_867], %get3A_617 {strides = array<i32>} : memref<128x512xf32, #tpu.memory_space<vmem>>, vector<16xf32>,
      %add3A_869 = arith.constant 0 : i32
      %add3A_870 = arith.addi %add3A_869, %while3A_748 : i32
      %swap3A_871 = arith.index_cast %add3A_870 : i32 to index
      %swap3A_872 = arith.constant 384 : index
      %swap3A_873 = tpu.vector_load %arg8[%swap3A_871, %swap3A_872] {strides = array<i32>} : memref<128x512xf32, #tpu.memory_space<vmem>>, vector<16xf32>,
      tpu.vector_store %arg8[%swap3A_871, %swap3A_872], %get3A_621 {strides = array<i32>} : memref<128x512xf32, #tpu.memory_space<vmem>>, vector<16xf32>,
      %add3A_874 = arith.constant 0 : i32
      %add3A_875 = arith.addi %add3A_874, %while3A_748 : i32
      %swap3A_876 = arith.index_cast %add3A_875 : i32 to index
      %swap3A_877 = arith.constant 400 : index
      %swap3A_878 = tpu.vector_load %arg8[%swap3A_876, %swap3A_877] {strides = array<i32>} : memref<128x512xf32, #tpu.memory_space<vmem>>, vector<16xf32>,
      tpu.vector_store %arg8[%swap3A_876, %swap3A_877], %get3A_625 {strides = array<i32>} : memref<128x512xf32, #tpu.memory_space<vmem>>, vector<16xf32>,
      %add3A_879 = arith.constant 0 : i32
      %add3A_880 = arith.addi %add3A_879, %while3A_748 : i32
      %swap3A_881 = arith.index_cast %add3A_880 : i32 to index
      %swap3A_882 = arith.constant 416 : index
      %swap3A_883 = tpu.vector_load %arg8[%swap3A_881, %swap3A_882] {strides = array<i32>} : memref<128x512xf32, #tpu.memory_space<vmem>>, vector<16xf32>,
      tpu.vector_store %arg8[%swap3A_881, %swap3A_882], %get3A_629 {strides = array<i32>} : memref<128x512xf32, #tpu.memory_space<vmem>>, vector<16xf32>,
      %add3A_884 = arith.constant 0 : i32
      %add3A_885 = arith.addi %add3A_884, %while3A_748 : i32
      %swap3A_886 = arith.index_cast %add3A_885 : i32 to index
      %swap3A_887 = arith.constant 432 : index
      %swap3A_888 = tpu.vector_load %arg8[%swap3A_886, %swap3A_887] {strides = array<i32>} : memref<128x512xf32, #tpu.memory_space<vmem>>, vector<16xf32>,
      tpu.vector_store %arg8[%swap3A_886, %swap3A_887], %get3A_633 {strides = array<i32>} : memref<128x512xf32, #tpu.memory_space<vmem>>, vector<16xf32>,
      %add3A_889 = arith.constant 0 : i32
      %add3A_890 = arith.addi %add3A_889, %while3A_748 : i32
      %swap3A_891 = arith.index_cast %add3A_890 : i32 to index
      %swap3A_892 = arith.constant 448 : index
      %swap3A_893 = tpu.vector_load %arg8[%swap3A_891, %swap3A_892] {strides = array<i32>} : memref<128x512xf32, #tpu.memory_space<vmem>>, vector<16xf32>,
      tpu.vector_store %arg8[%swap3A_891, %swap3A_892], %get3A_637 {strides = array<i32>} : memref<128x512xf32, #tpu.memory_space<vmem>>, vector<16xf32>,
      %add3A_894 = arith.constant 0 : i32
      %add3A_895 = arith.addi %add3A_894, %while3A_748 : i32
      %swap3A_896 = arith.index_cast %add3A_895 : i32 to index
      %swap3A_897 = arith.constant 464 : index
      %swap3A_898 = tpu.vector_load %arg8[%swap3A_896, %swap3A_897] {strides = array<i32>} : memref<128x512xf32, #tpu.memory_space<vmem>>, vector<16xf32>,
      tpu.vector_store %arg8[%swap3A_896, %swap3A_897], %get3A_641 {strides = array<i32>} : memref<128x512xf32, #tpu.memory_space<vmem>>, vector<16xf32>,
      %add3A_899 = arith.constant 0 : i32
      %add3A_900 = arith.addi %add3A_899, %while3A_748 : i32
      %swap3A_901 = arith.index_cast %add3A_900 : i32 to index
      %swap3A_902 = arith.constant 480 : index
      %swap3A_903 = tpu.vector_load %arg8[%swap3A_901, %swap3A_902] {strides = array<i32>} : memref<128x512xf32, #tpu.memory_space<vmem>>, vector<16xf32>,
      tpu.vector_store %arg8[%swap3A_901, %swap3A_902], %get3A_645 {strides = array<i32>} : memref<128x512xf32, #tpu.memory_space<vmem>>, vector<16xf32>,
      %add3A_904 = arith.constant 0 : i32
      %add3A_905 = arith.addi %add3A_904, %while3A_748 : i32
      %swap3A_906 = arith.index_cast %add3A_905 : i32 to index
      %swap3A_907 = arith.constant 496 : index
      %swap3A_908 = tpu.vector_load %arg8[%swap3A_906, %swap3A_907] {strides = array<i32>} : memref<128x512xf32, #tpu.memory_space<vmem>>, vector<16xf32>,
      tpu.vector_store %arg8[%swap3A_906, %swap3A_907], %get3A_649 {strides = array<i32>} : memref<128x512xf32, #tpu.memory_space<vmem>>, vector<16xf32>,
    }
    %dma_start3A_679 = arith.constant 0 : i32
    %dma_start3A_680 = arith.constant 0 : i32
    %dma_start3A_681 = tpu.memref_slice %arg8[%dma_start3A_679, %dma_start3A_680] : memref<128x512xf32, #tpu.memory_space<vmem>> -> memref<64x512xf32, #tpu.memory_space<vmem>>
    %dma_start3A_682 = arith.constant 0 : i32
    %dma_start3A_683 = tpu.memref_slice %arg4[%add3A_651, %dma_start3A_682] : memref<4096x512xf32, #tpu.memory_space<hbm>> -> memref<64x512xf32, #tpu.memory_space<hbm>>
    %dma_start3A_684 = arith.constant 0 : i32
    %dma_start3A_685 = tpu.memref_slice %arg4[%add3A_651, %dma_start3A_684] : memref<4096x512xf32, #tpu.memory_space<hbm>> -> memref<64x512xf32, #tpu.memory_space<hbm>>
    %dma_start3A_686 = arith.constant 0 : i32
    %dma_start3A_687 = arith.constant 0 : i32
    %dma_start3A_688 = tpu.memref_slice %arg8[%dma_start3A_686, %dma_start3A_687] : memref<128x512xf32, #tpu.memory_space<vmem>> -> memref<64x512xf32, #tpu.memory_space<vmem>>
    tpu.enqueue_dma source(%dma_start3A_688 : memref<64x512xf32, #tpu.memory_space<vmem>>) target(%dma_start3A_685 : memref<64x512xf32, #tpu.memory_space<hbm>>) target_semaphore(%arg16 : memref<!tpu.dma_semaphore, #tpu.memory_space<semaphore_mem>>)
    %dma_wait3A_689 = arith.constant 1 : i32
    %dma_wait3A_690 = arith.constant 64 : i32
    %dma_wait3A_691 = arith.constant 0 : i32
    %dma_wait3A_692 = tpu.memref_slice %arg8[%dma_wait3A_690, %dma_wait3A_691] : memref<128x512xf32, #tpu.memory_space<vmem>> -> memref<64x512xf32, #tpu.memory_space<vmem>>
    %dma_wait3A_693 = arith.constant 0 : i32
    %dma_wait3A_694 = tpu.memref_slice %arg7[%dma_wait3A_689, %dma_wait3A_693] : memref<2x64xi32, #tpu.memory_space<vmem>> -> memref<1x64xi32, #tpu.memory_space<vmem>>
    %dma_wait3A_695 = tpu.memref_squeeze %dma_wait3A_694 : memref<1x64xi32, #tpu.memory_space<vmem>> -> memref<64xi32, #tpu.memory_space<vmem>>
    %dma_wait3A_696 = arith.constant 0 : i32
    %dma_wait3A_697 = arith.constant 0 : i32
    %dma_wait3A_698 = tpu.memref_slice %arg2[%dma_wait3A_696, %dma_wait3A_697] : memref<32768x512xf32, #tpu.memory_space<hbm>> -> memref<32768x512xf32, #tpu.memory_space<hbm>>
    tpu.wait_indirect_dma semaphore(%arg12 : memref<!tpu.dma_semaphore, #tpu.memory_space<semaphore_mem>>) src(%dma_wait3A_698 : memref<32768x512xf32, #tpu.memory_space<hbm>>) dst(%dma_wait3A_692 : memref<64x512xf32, #tpu.memory_space<vmem>>)
    %sub3A_699 = arith.constant 64 : i32
    %sub3A_700 = arith.subi %select_n3A, %sub3A_699 : i32
    %jit3A_701 = arith.constant 0 : i32
    %jit3A_702 = arith.constant 64 : i32
    %max3A_703 = arith.maxsi %jit3A_701, %sub3A_700 : i32
    %min3A_704 = arith.minsi %jit3A_702, %max3A_703 : i32
    %while3A_705 = arith.constant 0 : i32
    %while3A_706 = arith.constant 64 : i32
    %while3A_707 = arith.subi %while3A_706, %min3A_704 : i32
    %while3A_708 = arith.addi %min3A_704, %while3A_707 : i32
    %while3A_709 = arith.constant 1 : i32
    %while3A_710 = arith.divsi %while3A_707, %while3A_709 : i32
    %while3A_711 = arith.muli %while3A_710, %while3A_709 : i32
    %while3A_712 = arith.addi %min3A_704, %while3A_711 : i32
    %while3A_713 = arith.constant 1 : i32
    scf.for %while3A_748 = %min3A_704 to %while3A_712 step %while3A_713  : i32 {
      %add3A_749 = arith.constant 64 : i32
      %add3A_750 = arith.addi %add3A_749, %while3A_748 : i32
      %swap3A_751 = arith.index_cast %add3A_750 : i32 to index
      %swap3A_752 = arith.constant 0 : index
      %swap3A_753 = tpu.vector_load %arg8[%swap3A_751, %swap3A_752] {strides = array<i32>} : memref<128x512xf32, #tpu.memory_space<vmem>>, vector<16xf32>,
      tpu.vector_store %arg8[%swap3A_751, %swap3A_752], %get3A_525 {strides = array<i32>} : memref<128x512xf32, #tpu.memory_space<vmem>>, vector<16xf32>,
      %add3A_754 = arith.constant 64 : i32
      %add3A_755 = arith.addi %add3A_754, %while3A_748 : i32
      %swap3A_756 = arith.index_cast %add3A_755 : i32 to index
      %swap3A_757 = arith.constant 16 : index
      %swap3A_758 = tpu.vector_load %arg8[%swap3A_756, %swap3A_757] {strides = array<i32>} : memref<128x512xf32, #tpu.memory_space<vmem>>, vector<16xf32>,
      tpu.vector_store %arg8[%swap3A_756, %swap3A_757], %get3A_529 {strides = array<i32>} : memref<128x512xf32, #tpu.memory_space<vmem>>, vector<16xf32>,
      %add3A_759 = arith.constant 64 : i32
      %add3A_760 = arith.addi %add3A_759, %while3A_748 : i32
      %swap3A_761 = arith.index_cast %add3A_760 : i32 to index
      %swap3A_762 = arith.constant 32 : index
      %swap3A_763 = tpu.vector_load %arg8[%swap3A_761, %swap3A_762] {strides = array<i32>} : memref<128x512xf32, #tpu.memory_space<vmem>>, vector<16xf32>,
      tpu.vector_store %arg8[%swap3A_761, %swap3A_762], %get3A_533 {strides = array<i32>} : memref<128x512xf32, #tpu.memory_space<vmem>>, vector<16xf32>,
      %add3A_764 = arith.constant 64 : i32
      %add3A_765 = arith.addi %add3A_764, %while3A_748 : i32
      %swap3A_766 = arith.index_cast %add3A_765 : i32 to index
      %swap3A_767 = arith.constant 48 : index
      %swap3A_768 = tpu.vector_load %arg8[%swap3A_766, %swap3A_767] {strides = array<i32>} : memref<128x512xf32, #tpu.memory_space<vmem>>, vector<16xf32>,
      tpu.vector_store %arg8[%swap3A_766, %swap3A_767], %get3A_537 {strides = array<i32>} : memref<128x512xf32, #tpu.memory_space<vmem>>, vector<16xf32>,
      %add3A_769 = arith.constant 64 : i32
      %add3A_770 = arith.addi %add3A_769, %while3A_748 : i32
      %swap3A_771 = arith.index_cast %add3A_770 : i32 to index
      %swap3A_772 = arith.constant 64 : index
      %swap3A_773 = tpu.vector_load %arg8[%swap3A_771, %swap3A_772] {strides = array<i32>} : memref<128x512xf32, #tpu.memory_space<vmem>>, vector<16xf32>,
      tpu.vector_store %arg8[%swap3A_771, %swap3A_772], %get3A_541 {strides = array<i32>} : memref<128x512xf32, #tpu.memory_space<vmem>>, vector<16xf32>,
      %add3A_774 = arith.constant 64 : i32
      %add3A_775 = arith.addi %add3A_774, %while3A_748 : i32
      %swap3A_776 = arith.index_cast %add3A_775 : i32 to index
      %swap3A_777 = arith.constant 80 : index
      %swap3A_778 = tpu.vector_load %arg8[%swap3A_776, %swap3A_777] {strides = array<i32>} : memref<128x512xf32, #tpu.memory_space<vmem>>, vector<16xf32>,
      tpu.vector_store %arg8[%swap3A_776, %swap3A_777], %get3A_545 {strides = array<i32>} : memref<128x512xf32, #tpu.memory_space<vmem>>, vector<16xf32>,
      %add3A_779 = arith.constant 64 : i32
      %add3A_780 = arith.addi %add3A_779, %while3A_748 : i32
      %swap3A_781 = arith.index_cast %add3A_780 : i32 to index
      %swap3A_782 = arith.constant 96 : index
      %swap3A_783 = tpu.vector_load %arg8[%swap3A_781, %swap3A_782] {strides = array<i32>} : memref<128x512xf32, #tpu.memory_space<vmem>>, vector<16xf32>,
      tpu.vector_store %arg8[%swap3A_781, %swap3A_782], %get3A_549 {strides = array<i32>} : memref<128x512xf32, #tpu.memory_space<vmem>>, vector<16xf32>,
      %add3A_784 = arith.constant 64 : i32
      %add3A_785 = arith.addi %add3A_784, %while3A_748 : i32
      %swap3A_786 = arith.index_cast %add3A_785 : i32 to index
      %swap3A_787 = arith.constant 112 : index
      %swap3A_788 = tpu.vector_load %arg8[%swap3A_786, %swap3A_787] {strides = array<i32>} : memref<128x512xf32, #tpu.memory_space<vmem>>, vector<16xf32>,
      tpu.vector_store %arg8[%swap3A_786, %swap3A_787], %get3A_553 {strides = array<i32>} : memref<128x512xf32, #tpu.memory_space<vmem>>, vector<16xf32>,
      %add3A_789 = arith.constant 64 : i32
      %add3A_790 = arith.addi %add3A_789, %while3A_748 : i32
      %swap3A_791 = arith.index_cast %add3A_790 : i32 to index
      %swap3A_792 = arith.constant 128 : index
      %swap3A_793 = tpu.vector_load %arg8[%swap3A_791, %swap3A_792] {strides = array<i32>} : memref<128x512xf32, #tpu.memory_space<vmem>>, vector<16xf32>,
      tpu.vector_store %arg8[%swap3A_791, %swap3A_792], %get3A_557 {strides = array<i32>} : memref<128x512xf32, #tpu.memory_space<vmem>>, vector<16xf32>,
      %add3A_794 = arith.constant 64 : i32
      %add3A_795 = arith.addi %add3A_794, %while3A_748 : i32
      %swap3A_796 = arith.index_cast %add3A_795 : i32 to index
      %swap3A_797 = arith.constant 144 : index
      %swap3A_798 = tpu.vector_load %arg8[%swap3A_796, %swap3A_797] {strides = array<i32>} : memref<128x512xf32, #tpu.memory_space<vmem>>, vector<16xf32>,
      tpu.vector_store %arg8[%swap3A_796, %swap3A_797], %get3A_561 {strides = array<i32>} : memref<128x512xf32, #tpu.memory_space<vmem>>, vector<16xf32>,
      %add3A_799 = arith.constant 64 : i32
      %add3A_800 = arith.addi %add3A_799, %while3A_748 : i32
      %swap3A_801 = arith.index_cast %add3A_800 : i32 to index
      %swap3A_802 = arith.constant 160 : index
      %swap3A_803 = tpu.vector_load %arg8[%swap3A_801, %swap3A_802] {strides = array<i32>} : memref<128x512xf32, #tpu.memory_space<vmem>>, vector<16xf32>,
      tpu.vector_store %arg8[%swap3A_801, %swap3A_802], %get3A_565 {strides = array<i32>} : memref<128x512xf32, #tpu.memory_space<vmem>>, vector<16xf32>,
      %add3A_804 = arith.constant 64 : i32
      %add3A_805 = arith.addi %add3A_804, %while3A_748 : i32
      %swap3A_806 = arith.index_cast %add3A_805 : i32 to index
      %swap3A_807 = arith.constant 176 : index
      %swap3A_808 = tpu.vector_load %arg8[%swap3A_806, %swap3A_807] {strides = array<i32>} : memref<128x512xf32, #tpu.memory_space<vmem>>, vector<16xf32>,
      tpu.vector_store %arg8[%swap3A_806, %swap3A_807], %get3A_569 {strides = array<i32>} : memref<128x512xf32, #tpu.memory_space<vmem>>, vector<16xf32>,
      %add3A_809 = arith.constant 64 : i32
      %add3A_810 = arith.addi %add3A_809, %while3A_748 : i32
      %swap3A_811 = arith.index_cast %add3A_810 : i32 to index
      %swap3A_812 = arith.constant 192 : index
      %swap3A_813 = tpu.vector_load %arg8[%swap3A_811, %swap3A_812] {strides = array<i32>} : memref<128x512xf32, #tpu.memory_space<vmem>>, vector<16xf32>,
      tpu.vector_store %arg8[%swap3A_811, %swap3A_812], %get3A_573 {strides = array<i32>} : memref<128x512xf32, #tpu.memory_space<vmem>>, vector<16xf32>,
      %add3A_814 = arith.constant 64 : i32
      %add3A_815 = arith.addi %add3A_814, %while3A_748 : i32
      %swap3A_816 = arith.index_cast %add3A_815 : i32 to index
      %swap3A_817 = arith.constant 208 : index
      %swap3A_818 = tpu.vector_load %arg8[%swap3A_816, %swap3A_817] {strides = array<i32>} : memref<128x512xf32, #tpu.memory_space<vmem>>, vector<16xf32>,
      tpu.vector_store %arg8[%swap3A_816, %swap3A_817], %get3A_577 {strides = array<i32>} : memref<128x512xf32, #tpu.memory_space<vmem>>, vector<16xf32>,
      %add3A_819 = arith.constant 64 : i32
      %add3A_820 = arith.addi %add3A_819, %while3A_748 : i32
      %swap3A_821 = arith.index_cast %add3A_820 : i32 to index
      %swap3A_822 = arith.constant 224 : index
      %swap3A_823 = tpu.vector_load %arg8[%swap3A_821, %swap3A_822] {strides = array<i32>} : memref<128x512xf32, #tpu.memory_space<vmem>>, vector<16xf32>,
      tpu.vector_store %arg8[%swap3A_821, %swap3A_822], %get3A_581 {strides = array<i32>} : memref<128x512xf32, #tpu.memory_space<vmem>>, vector<16xf32>,
      %add3A_824 = arith.constant 64 : i32
      %add3A_825 = arith.addi %add3A_824, %while3A_748 : i32
      %swap3A_826 = arith.index_cast %add3A_825 : i32 to index
      %swap3A_827 = arith.constant 240 : index
      %swap3A_828 = tpu.vector_load %arg8[%swap3A_826, %swap3A_827] {strides = array<i32>} : memref<128x512xf32, #tpu.memory_space<vmem>>, vector<16xf32>,
      tpu.vector_store %arg8[%swap3A_826, %swap3A_827], %get3A_585 {strides = array<i32>} : memref<128x512xf32, #tpu.memory_space<vmem>>, vector<16xf32>,
      %add3A_829 = arith.constant 64 : i32
      %add3A_830 = arith.addi %add3A_829, %while3A_748 : i32
      %swap3A_831 = arith.index_cast %add3A_830 : i32 to index
      %swap3A_832 = arith.constant 256 : index
      %swap3A_833 = tpu.vector_load %arg8[%swap3A_831, %swap3A_832] {strides = array<i32>} : memref<128x512xf32, #tpu.memory_space<vmem>>, vector<16xf32>,
      tpu.vector_store %arg8[%swap3A_831, %swap3A_832], %get3A_589 {strides = array<i32>} : memref<128x512xf32, #tpu.memory_space<vmem>>, vector<16xf32>,
      %add3A_834 = arith.constant 64 : i32
      %add3A_835 = arith.addi %add3A_834, %while3A_748 : i32
      %swap3A_836 = arith.index_cast %add3A_835 : i32 to index
      %swap3A_837 = arith.constant 272 : index
      %swap3A_838 = tpu.vector_load %arg8[%swap3A_836, %swap3A_837] {strides = array<i32>} : memref<128x512xf32, #tpu.memory_space<vmem>>, vector<16xf32>,
      tpu.vector_store %arg8[%swap3A_836, %swap3A_837], %get3A_593 {strides = array<i32>} : memref<128x512xf32, #tpu.memory_space<vmem>>, vector<16xf32>,
      %add3A_839 = arith.constant 64 : i32
      %add3A_840 = arith.addi %add3A_839, %while3A_748 : i32
      %swap3A_841 = arith.index_cast %add3A_840 : i32 to index
      %swap3A_842 = arith.constant 288 : index
      %swap3A_843 = tpu.vector_load %arg8[%swap3A_841, %swap3A_842] {strides = array<i32>} : memref<128x512xf32, #tpu.memory_space<vmem>>, vector<16xf32>,
      tpu.vector_store %arg8[%swap3A_841, %swap3A_842], %get3A_597 {strides = array<i32>} : memref<128x512xf32, #tpu.memory_space<vmem>>, vector<16xf32>,
      %add3A_844 = arith.constant 64 : i32
      %add3A_845 = arith.addi %add3A_844, %while3A_748 : i32
      %swap3A_846 = arith.index_cast %add3A_845 : i32 to index
      %swap3A_847 = arith.constant 304 : index
      %swap3A_848 = tpu.vector_load %arg8[%swap3A_846, %swap3A_847] {strides = array<i32>} : memref<128x512xf32, #tpu.memory_space<vmem>>, vector<16xf32>,
      tpu.vector_store %arg8[%swap3A_846, %swap3A_847], %get3A_601 {strides = array<i32>} : memref<128x512xf32, #tpu.memory_space<vmem>>, vector<16xf32>,
      %add3A_849 = arith.constant 64 : i32
      %add3A_850 = arith.addi %add3A_849, %while3A_748 : i32
      %swap3A_851 = arith.index_cast %add3A_850 : i32 to index
      %swap3A_852 = arith.constant 320 : index
      %swap3A_853 = tpu.vector_load %arg8[%swap3A_851, %swap3A_852] {strides = array<i32>} : memref<128x512xf32, #tpu.memory_space<vmem>>, vector<16xf32>,
      tpu.vector_store %arg8[%swap3A_851, %swap3A_852], %get3A_605 {strides = array<i32>} : memref<128x512xf32, #tpu.memory_space<vmem>>, vector<16xf32>,
      %add3A_854 = arith.constant 64 : i32
      %add3A_855 = arith.addi %add3A_854, %while3A_748 : i32
      %swap3A_856 = arith.index_cast %add3A_855 : i32 to index
      %swap3A_857 = arith.constant 336 : index
      %swap3A_858 = tpu.vector_load %arg8[%swap3A_856, %swap3A_857] {strides = array<i32>} : memref<128x512xf32, #tpu.memory_space<vmem>>, vector<16xf32>,
      tpu.vector_store %arg8[%swap3A_856, %swap3A_857], %get3A_609 {strides = array<i32>} : memref<128x512xf32, #tpu.memory_space<vmem>>, vector<16xf32>,
      %add3A_859 = arith.constant 64 : i32
      %add3A_860 = arith.addi %add3A_859, %while3A_748 : i32
      %swap3A_861 = arith.index_cast %add3A_860 : i32 to index
      %swap3A_862 = arith.constant 352 : index
      %swap3A_863 = tpu.vector_load %arg8[%swap3A_861, %swap3A_862] {strides = array<i32>} : memref<128x512xf32, #tpu.memory_space<vmem>>, vector<16xf32>,
      tpu.vector_store %arg8[%swap3A_861, %swap3A_862], %get3A_613 {strides = array<i32>} : memref<128x512xf32, #tpu.memory_space<vmem>>, vector<16xf32>,
      %add3A_864 = arith.constant 64 : i32
      %add3A_865 = arith.addi %add3A_864, %while3A_748 : i32
      %swap3A_866 = arith.index_cast %add3A_865 : i32 to index
      %swap3A_867 = arith.constant 368 : index
      %swap3A_868 = tpu.vector_load %arg8[%swap3A_866, %swap3A_867] {strides = array<i32>} : memref<128x512xf32, #tpu.memory_space<vmem>>, vector<16xf32>,
      tpu.vector_store %arg8[%swap3A_866, %swap3A_867], %get3A_617 {strides = array<i32>} : memref<128x512xf32, #tpu.memory_space<vmem>>, vector<16xf32>,
      %add3A_869 = arith.constant 64 : i32
      %add3A_870 = arith.addi %add3A_869, %while3A_748 : i32
      %swap3A_871 = arith.index_cast %add3A_870 : i32 to index
      %swap3A_872 = arith.constant 384 : index
      %swap3A_873 = tpu.vector_load %arg8[%swap3A_871, %swap3A_872] {strides = array<i32>} : memref<128x512xf32, #tpu.memory_space<vmem>>, vector<16xf32>,
      tpu.vector_store %arg8[%swap3A_871, %swap3A_872], %get3A_621 {strides = array<i32>} : memref<128x512xf32, #tpu.memory_space<vmem>>, vector<16xf32>,
      %add3A_874 = arith.constant 64 : i32
      %add3A_875 = arith.addi %add3A_874, %while3A_748 : i32
      %swap3A_876 = arith.index_cast %add3A_875 : i32 to index
      %swap3A_877 = arith.constant 400 : index
      %swap3A_878 = tpu.vector_load %arg8[%swap3A_876, %swap3A_877] {strides = array<i32>} : memref<128x512xf32, #tpu.memory_space<vmem>>, vector<16xf32>,
      tpu.vector_store %arg8[%swap3A_876, %swap3A_877], %get3A_625 {strides = array<i32>} : memref<128x512xf32, #tpu.memory_space<vmem>>, vector<16xf32>,
      %add3A_879 = arith.constant 64 : i32
      %add3A_880 = arith.addi %add3A_879, %while3A_748 : i32
      %swap3A_881 = arith.index_cast %add3A_880 : i32 to index
      %swap3A_882 = arith.constant 416 : index
      %swap3A_883 = tpu.vector_load %arg8[%swap3A_881, %swap3A_882] {strides = array<i32>} : memref<128x512xf32, #tpu.memory_space<vmem>>, vector<16xf32>,
      tpu.vector_store %arg8[%swap3A_881, %swap3A_882], %get3A_629 {strides = array<i32>} : memref<128x512xf32, #tpu.memory_space<vmem>>, vector<16xf32>,
      %add3A_884 = arith.constant 64 : i32
      %add3A_885 = arith.addi %add3A_884, %while3A_748 : i32
      %swap3A_886 = arith.index_cast %add3A_885 : i32 to index
      %swap3A_887 = arith.constant 432 : index
      %swap3A_888 = tpu.vector_load %arg8[%swap3A_886, %swap3A_887] {strides = array<i32>} : memref<128x512xf32, #tpu.memory_space<vmem>>, vector<16xf32>,
      tpu.vector_store %arg8[%swap3A_886, %swap3A_887], %get3A_633 {strides = array<i32>} : memref<128x512xf32, #tpu.memory_space<vmem>>, vector<16xf32>,
      %add3A_889 = arith.constant 64 : i32
      %add3A_890 = arith.addi %add3A_889, %while3A_748 : i32
      %swap3A_891 = arith.index_cast %add3A_890 : i32 to index
      %swap3A_892 = arith.constant 448 : index
      %swap3A_893 = tpu.vector_load %arg8[%swap3A_891, %swap3A_892] {strides = array<i32>} : memref<128x512xf32, #tpu.memory_space<vmem>>, vector<16xf32>,
      tpu.vector_store %arg8[%swap3A_891, %swap3A_892], %get3A_637 {strides = array<i32>} : memref<128x512xf32, #tpu.memory_space<vmem>>, vector<16xf32>,
      %add3A_894 = arith.constant 64 : i32
      %add3A_895 = arith.addi %add3A_894, %while3A_748 : i32
      %swap3A_896 = arith.index_cast %add3A_895 : i32 to index
      %swap3A_897 = arith.constant 464 : index
      %swap3A_898 = tpu.vector_load %arg8[%swap3A_896, %swap3A_897] {strides = array<i32>} : memref<128x512xf32, #tpu.memory_space<vmem>>, vector<16xf32>,
      tpu.vector_store %arg8[%swap3A_896, %swap3A_897], %get3A_641 {strides = array<i32>} : memref<128x512xf32, #tpu.memory_space<vmem>>, vector<16xf32>,
      %add3A_899 = arith.constant 64 : i32
      %add3A_900 = arith.addi %add3A_899, %while3A_748 : i32
      %swap3A_901 = arith.index_cast %add3A_900 : i32 to index
      %swap3A_902 = arith.constant 480 : index
      %swap3A_903 = tpu.vector_load %arg8[%swap3A_901, %swap3A_902] {strides = array<i32>} : memref<128x512xf32, #tpu.memory_space<vmem>>, vector<16xf32>,
      tpu.vector_store %arg8[%swap3A_901, %swap3A_902], %get3A_645 {strides = array<i32>} : memref<128x512xf32, #tpu.memory_space<vmem>>, vector<16xf32>,
      %add3A_904 = arith.constant 64 : i32
      %add3A_905 = arith.addi %add3A_904, %while3A_748 : i32
      %swap3A_906 = arith.index_cast %add3A_905 : i32 to index
      %swap3A_907 = arith.constant 496 : index
      %swap3A_908 = tpu.vector_load %arg8[%swap3A_906, %swap3A_907] {strides = array<i32>} : memref<128x512xf32, #tpu.memory_space<vmem>>, vector<16xf32>,
      tpu.vector_store %arg8[%swap3A_906, %swap3A_907], %get3A_649 {strides = array<i32>} : memref<128x512xf32, #tpu.memory_space<vmem>>, vector<16xf32>,
    }
    %while3A_714 = arith.constant 1 : i32
    scf.for %while3A_748 = %while3A_712 to %while3A_708 step %while3A_714  : i32 {
      %add3A_749 = arith.constant 64 : i32
      %add3A_750 = arith.addi %add3A_749, %while3A_748 : i32
      %swap3A_751 = arith.index_cast %add3A_750 : i32 to index
      %swap3A_752 = arith.constant 0 : index
      %swap3A_753 = tpu.vector_load %arg8[%swap3A_751, %swap3A_752] {strides = array<i32>} : memref<128x512xf32, #tpu.memory_space<vmem>>, vector<16xf32>,
      tpu.vector_store %arg8[%swap3A_751, %swap3A_752], %get3A_525 {strides = array<i32>} : memref<128x512xf32, #tpu.memory_space<vmem>>, vector<16xf32>,
      %add3A_754 = arith.constant 64 : i32
      %add3A_755 = arith.addi %add3A_754, %while3A_748 : i32
      %swap3A_756 = arith.index_cast %add3A_755 : i32 to index
      %swap3A_757 = arith.constant 16 : index
      %swap3A_758 = tpu.vector_load %arg8[%swap3A_756, %swap3A_757] {strides = array<i32>} : memref<128x512xf32, #tpu.memory_space<vmem>>, vector<16xf32>,
      tpu.vector_store %arg8[%swap3A_756, %swap3A_757], %get3A_529 {strides = array<i32>} : memref<128x512xf32, #tpu.memory_space<vmem>>, vector<16xf32>,
      %add3A_759 = arith.constant 64 : i32
      %add3A_760 = arith.addi %add3A_759, %while3A_748 : i32
      %swap3A_761 = arith.index_cast %add3A_760 : i32 to index
      %swap3A_762 = arith.constant 32 : index
      %swap3A_763 = tpu.vector_load %arg8[%swap3A_761, %swap3A_762] {strides = array<i32>} : memref<128x512xf32, #tpu.memory_space<vmem>>, vector<16xf32>,
      tpu.vector_store %arg8[%swap3A_761, %swap3A_762], %get3A_533 {strides = array<i32>} : memref<128x512xf32, #tpu.memory_space<vmem>>, vector<16xf32>,
      %add3A_764 = arith.constant 64 : i32
      %add3A_765 = arith.addi %add3A_764, %while3A_748 : i32
      %swap3A_766 = arith.index_cast %add3A_765 : i32 to index
      %swap3A_767 = arith.constant 48 : index
      %swap3A_768 = tpu.vector_load %arg8[%swap3A_766, %swap3A_767] {strides = array<i32>} : memref<128x512xf32, #tpu.memory_space<vmem>>, vector<16xf32>,
      tpu.vector_store %arg8[%swap3A_766, %swap3A_767], %get3A_537 {strides = array<i32>} : memref<128x512xf32, #tpu.memory_space<vmem>>, vector<16xf32>,
      %add3A_769 = arith.constant 64 : i32
      %add3A_770 = arith.addi %add3A_769, %while3A_748 : i32
      %swap3A_771 = arith.index_cast %add3A_770 : i32 to index
      %swap3A_772 = arith.constant 64 : index
      %swap3A_773 = tpu.vector_load %arg8[%swap3A_771, %swap3A_772] {strides = array<i32>} : memref<128x512xf32, #tpu.memory_space<vmem>>, vector<16xf32>,
      tpu.vector_store %arg8[%swap3A_771, %swap3A_772], %get3A_541 {strides = array<i32>} : memref<128x512xf32, #tpu.memory_space<vmem>>, vector<16xf32>,
      %add3A_774 = arith.constant 64 : i32
      %add3A_775 = arith.addi %add3A_774, %while3A_748 : i32
      %swap3A_776 = arith.index_cast %add3A_775 : i32 to index
      %swap3A_777 = arith.constant 80 : index
      %swap3A_778 = tpu.vector_load %arg8[%swap3A_776, %swap3A_777] {strides = array<i32>} : memref<128x512xf32, #tpu.memory_space<vmem>>, vector<16xf32>,
      tpu.vector_store %arg8[%swap3A_776, %swap3A_777], %get3A_545 {strides = array<i32>} : memref<128x512xf32, #tpu.memory_space<vmem>>, vector<16xf32>,
      %add3A_779 = arith.constant 64 : i32
      %add3A_780 = arith.addi %add3A_779, %while3A_748 : i32
      %swap3A_781 = arith.index_cast %add3A_780 : i32 to index
      %swap3A_782 = arith.constant 96 : index
      %swap3A_783 = tpu.vector_load %arg8[%swap3A_781, %swap3A_782] {strides = array<i32>} : memref<128x512xf32, #tpu.memory_space<vmem>>, vector<16xf32>,
      tpu.vector_store %arg8[%swap3A_781, %swap3A_782], %get3A_549 {strides = array<i32>} : memref<128x512xf32, #tpu.memory_space<vmem>>, vector<16xf32>,
      %add3A_784 = arith.constant 64 : i32
      %add3A_785 = arith.addi %add3A_784, %while3A_748 : i32
      %swap3A_786 = arith.index_cast %add3A_785 : i32 to index
      %swap3A_787 = arith.constant 112 : index
      %swap3A_788 = tpu.vector_load %arg8[%swap3A_786, %swap3A_787] {strides = array<i32>} : memref<128x512xf32, #tpu.memory_space<vmem>>, vector<16xf32>,
      tpu.vector_store %arg8[%swap3A_786, %swap3A_787], %get3A_553 {strides = array<i32>} : memref<128x512xf32, #tpu.memory_space<vmem>>, vector<16xf32>,
      %add3A_789 = arith.constant 64 : i32
      %add3A_790 = arith.addi %add3A_789, %while3A_748 : i32
      %swap3A_791 = arith.index_cast %add3A_790 : i32 to index
      %swap3A_792 = arith.constant 128 : index
      %swap3A_793 = tpu.vector_load %arg8[%swap3A_791, %swap3A_792] {strides = array<i32>} : memref<128x512xf32, #tpu.memory_space<vmem>>, vector<16xf32>,
      tpu.vector_store %arg8[%swap3A_791, %swap3A_792], %get3A_557 {strides = array<i32>} : memref<128x512xf32, #tpu.memory_space<vmem>>, vector<16xf32>,
      %add3A_794 = arith.constant 64 : i32
      %add3A_795 = arith.addi %add3A_794, %while3A_748 : i32
      %swap3A_796 = arith.index_cast %add3A_795 : i32 to index
      %swap3A_797 = arith.constant 144 : index
      %swap3A_798 = tpu.vector_load %arg8[%swap3A_796, %swap3A_797] {strides = array<i32>} : memref<128x512xf32, #tpu.memory_space<vmem>>, vector<16xf32>,
      tpu.vector_store %arg8[%swap3A_796, %swap3A_797], %get3A_561 {strides = array<i32>} : memref<128x512xf32, #tpu.memory_space<vmem>>, vector<16xf32>,
      %add3A_799 = arith.constant 64 : i32
      %add3A_800 = arith.addi %add3A_799, %while3A_748 : i32
      %swap3A_801 = arith.index_cast %add3A_800 : i32 to index
      %swap3A_802 = arith.constant 160 : index
      %swap3A_803 = tpu.vector_load %arg8[%swap3A_801, %swap3A_802] {strides = array<i32>} : memref<128x512xf32, #tpu.memory_space<vmem>>, vector<16xf32>,
      tpu.vector_store %arg8[%swap3A_801, %swap3A_802], %get3A_565 {strides = array<i32>} : memref<128x512xf32, #tpu.memory_space<vmem>>, vector<16xf32>,
      %add3A_804 = arith.constant 64 : i32
      %add3A_805 = arith.addi %add3A_804, %while3A_748 : i32
      %swap3A_806 = arith.index_cast %add3A_805 : i32 to index
      %swap3A_807 = arith.constant 176 : index
      %swap3A_808 = tpu.vector_load %arg8[%swap3A_806, %swap3A_807] {strides = array<i32>} : memref<128x512xf32, #tpu.memory_space<vmem>>, vector<16xf32>,
      tpu.vector_store %arg8[%swap3A_806, %swap3A_807], %get3A_569 {strides = array<i32>} : memref<128x512xf32, #tpu.memory_space<vmem>>, vector<16xf32>,
      %add3A_809 = arith.constant 64 : i32
      %add3A_810 = arith.addi %add3A_809, %while3A_748 : i32
      %swap3A_811 = arith.index_cast %add3A_810 : i32 to index
      %swap3A_812 = arith.constant 192 : index
      %swap3A_813 = tpu.vector_load %arg8[%swap3A_811, %swap3A_812] {strides = array<i32>} : memref<128x512xf32, #tpu.memory_space<vmem>>, vector<16xf32>,
      tpu.vector_store %arg8[%swap3A_811, %swap3A_812], %get3A_573 {strides = array<i32>} : memref<128x512xf32, #tpu.memory_space<vmem>>, vector<16xf32>,
      %add3A_814 = arith.constant 64 : i32
      %add3A_815 = arith.addi %add3A_814, %while3A_748 : i32
      %swap3A_816 = arith.index_cast %add3A_815 : i32 to index
      %swap3A_817 = arith.constant 208 : index
      %swap3A_818 = tpu.vector_load %arg8[%swap3A_816, %swap3A_817] {strides = array<i32>} : memref<128x512xf32, #tpu.memory_space<vmem>>, vector<16xf32>,
      tpu.vector_store %arg8[%swap3A_816, %swap3A_817], %get3A_577 {strides = array<i32>} : memref<128x512xf32, #tpu.memory_space<vmem>>, vector<16xf32>,
      %add3A_819 = arith.constant 64 : i32
      %add3A_820 = arith.addi %add3A_819, %while3A_748 : i32
      %swap3A_821 = arith.index_cast %add3A_820 : i32 to index
      %swap3A_822 = arith.constant 224 : index
      %swap3A_823 = tpu.vector_load %arg8[%swap3A_821, %swap3A_822] {strides = array<i32>} : memref<128x512xf32, #tpu.memory_space<vmem>>, vector<16xf32>,
      tpu.vector_store %arg8[%swap3A_821, %swap3A_822], %get3A_581 {strides = array<i32>} : memref<128x512xf32, #tpu.memory_space<vmem>>, vector<16xf32>,
      %add3A_824 = arith.constant 64 : i32
      %add3A_825 = arith.addi %add3A_824, %while3A_748 : i32
      %swap3A_826 = arith.index_cast %add3A_825 : i32 to index
      %swap3A_827 = arith.constant 240 : index
      %swap3A_828 = tpu.vector_load %arg8[%swap3A_826, %swap3A_827] {strides = array<i32>} : memref<128x512xf32, #tpu.memory_space<vmem>>, vector<16xf32>,
      tpu.vector_store %arg8[%swap3A_826, %swap3A_827], %get3A_585 {strides = array<i32>} : memref<128x512xf32, #tpu.memory_space<vmem>>, vector<16xf32>,
      %add3A_829 = arith.constant 64 : i32
      %add3A_830 = arith.addi %add3A_829, %while3A_748 : i32
      %swap3A_831 = arith.index_cast %add3A_830 : i32 to index
      %swap3A_832 = arith.constant 256 : index
      %swap3A_833 = tpu.vector_load %arg8[%swap3A_831, %swap3A_832] {strides = array<i32>} : memref<128x512xf32, #tpu.memory_space<vmem>>, vector<16xf32>,
      tpu.vector_store %arg8[%swap3A_831, %swap3A_832], %get3A_589 {strides = array<i32>} : memref<128x512xf32, #tpu.memory_space<vmem>>, vector<16xf32>,
      %add3A_834 = arith.constant 64 : i32
      %add3A_835 = arith.addi %add3A_834, %while3A_748 : i32
      %swap3A_836 = arith.index_cast %add3A_835 : i32 to index
      %swap3A_837 = arith.constant 272 : index
      %swap3A_838 = tpu.vector_load %arg8[%swap3A_836, %swap3A_837] {strides = array<i32>} : memref<128x512xf32, #tpu.memory_space<vmem>>, vector<16xf32>,
      tpu.vector_store %arg8[%swap3A_836, %swap3A_837], %get3A_593 {strides = array<i32>} : memref<128x512xf32, #tpu.memory_space<vmem>>, vector<16xf32>,
      %add3A_839 = arith.constant 64 : i32
      %add3A_840 = arith.addi %add3A_839, %while3A_748 : i32
      %swap3A_841 = arith.index_cast %add3A_840 : i32 to index
      %swap3A_842 = arith.constant 288 : index
      %swap3A_843 = tpu.vector_load %arg8[%swap3A_841, %swap3A_842] {strides = array<i32>} : memref<128x512xf32, #tpu.memory_space<vmem>>, vector<16xf32>,
      tpu.vector_store %arg8[%swap3A_841, %swap3A_842], %get3A_597 {strides = array<i32>} : memref<128x512xf32, #tpu.memory_space<vmem>>, vector<16xf32>,
      %add3A_844 = arith.constant 64 : i32
      %add3A_845 = arith.addi %add3A_844, %while3A_748 : i32
      %swap3A_846 = arith.index_cast %add3A_845 : i32 to index
      %swap3A_847 = arith.constant 304 : index
      %swap3A_848 = tpu.vector_load %arg8[%swap3A_846, %swap3A_847] {strides = array<i32>} : memref<128x512xf32, #tpu.memory_space<vmem>>, vector<16xf32>,
      tpu.vector_store %arg8[%swap3A_846, %swap3A_847], %get3A_601 {strides = array<i32>} : memref<128x512xf32, #tpu.memory_space<vmem>>, vector<16xf32>,
      %add3A_849 = arith.constant 64 : i32
      %add3A_850 = arith.addi %add3A_849, %while3A_748 : i32
      %swap3A_851 = arith.index_cast %add3A_850 : i32 to index
      %swap3A_852 = arith.constant 320 : index
      %swap3A_853 = tpu.vector_load %arg8[%swap3A_851, %swap3A_852] {strides = array<i32>} : memref<128x512xf32, #tpu.memory_space<vmem>>, vector<16xf32>,
      tpu.vector_store %arg8[%swap3A_851, %swap3A_852], %get3A_605 {strides = array<i32>} : memref<128x512xf32, #tpu.memory_space<vmem>>, vector<16xf32>,
      %add3A_854 = arith.constant 64 : i32
      %add3A_855 = arith.addi %add3A_854, %while3A_748 : i32
      %swap3A_856 = arith.index_cast %add3A_855 : i32 to index
      %swap3A_857 = arith.constant 336 : index
      %swap3A_858 = tpu.vector_load %arg8[%swap3A_856, %swap3A_857] {strides = array<i32>} : memref<128x512xf32, #tpu.memory_space<vmem>>, vector<16xf32>,
      tpu.vector_store %arg8[%swap3A_856, %swap3A_857], %get3A_609 {strides = array<i32>} : memref<128x512xf32, #tpu.memory_space<vmem>>, vector<16xf32>,
      %add3A_859 = arith.constant 64 : i32
      %add3A_860 = arith.addi %add3A_859, %while3A_748 : i32
      %swap3A_861 = arith.index_cast %add3A_860 : i32 to index
      %swap3A_862 = arith.constant 352 : index
      %swap3A_863 = tpu.vector_load %arg8[%swap3A_861, %swap3A_862] {strides = array<i32>} : memref<128x512xf32, #tpu.memory_space<vmem>>, vector<16xf32>,
      tpu.vector_store %arg8[%swap3A_861, %swap3A_862], %get3A_613 {strides = array<i32>} : memref<128x512xf32, #tpu.memory_space<vmem>>, vector<16xf32>,
      %add3A_864 = arith.constant 64 : i32
      %add3A_865 = arith.addi %add3A_864, %while3A_748 : i32
      %swap3A_866 = arith.index_cast %add3A_865 : i32 to index
      %swap3A_867 = arith.constant 368 : index
      %swap3A_868 = tpu.vector_load %arg8[%swap3A_866, %swap3A_867] {strides = array<i32>} : memref<128x512xf32, #tpu.memory_space<vmem>>, vector<16xf32>,
      tpu.vector_store %arg8[%swap3A_866, %swap3A_867], %get3A_617 {strides = array<i32>} : memref<128x512xf32, #tpu.memory_space<vmem>>, vector<16xf32>,
      %add3A_869 = arith.constant 64 : i32
      %add3A_870 = arith.addi %add3A_869, %while3A_748 : i32
      %swap3A_871 = arith.index_cast %add3A_870 : i32 to index
      %swap3A_872 = arith.constant 384 : index
      %swap3A_873 = tpu.vector_load %arg8[%swap3A_871, %swap3A_872] {strides = array<i32>} : memref<128x512xf32, #tpu.memory_space<vmem>>, vector<16xf32>,
      tpu.vector_store %arg8[%swap3A_871, %swap3A_872], %get3A_621 {strides = array<i32>} : memref<128x512xf32, #tpu.memory_space<vmem>>, vector<16xf32>,
      %add3A_874 = arith.constant 64 : i32
      %add3A_875 = arith.addi %add3A_874, %while3A_748 : i32
      %swap3A_876 = arith.index_cast %add3A_875 : i32 to index
      %swap3A_877 = arith.constant 400 : index
      %swap3A_878 = tpu.vector_load %arg8[%swap3A_876, %swap3A_877] {strides = array<i32>} : memref<128x512xf32, #tpu.memory_space<vmem>>, vector<16xf32>,
      tpu.vector_store %arg8[%swap3A_876, %swap3A_877], %get3A_625 {strides = array<i32>} : memref<128x512xf32, #tpu.memory_space<vmem>>, vector<16xf32>,
      %add3A_879 = arith.constant 64 : i32
      %add3A_880 = arith.addi %add3A_879, %while3A_748 : i32
      %swap3A_881 = arith.index_cast %add3A_880 : i32 to index
      %swap3A_882 = arith.constant 416 : index
      %swap3A_883 = tpu.vector_load %arg8[%swap3A_881, %swap3A_882] {strides = array<i32>} : memref<128x512xf32, #tpu.memory_space<vmem>>, vector<16xf32>,
      tpu.vector_store %arg8[%swap3A_881, %swap3A_882], %get3A_629 {strides = array<i32>} : memref<128x512xf32, #tpu.memory_space<vmem>>, vector<16xf32>,
      %add3A_884 = arith.constant 64 : i32
      %add3A_885 = arith.addi %add3A_884, %while3A_748 : i32
      %swap3A_886 = arith.index_cast %add3A_885 : i32 to index
      %swap3A_887 = arith.constant 432 : index
      %swap3A_888 = tpu.vector_load %arg8[%swap3A_886, %swap3A_887] {strides = array<i32>} : memref<128x512xf32, #tpu.memory_space<vmem>>, vector<16xf32>,
      tpu.vector_store %arg8[%swap3A_886, %swap3A_887], %get3A_633 {strides = array<i32>} : memref<128x512xf32, #tpu.memory_space<vmem>>, vector<16xf32>,
      %add3A_889 = arith.constant 64 : i32
      %add3A_890 = arith.addi %add3A_889, %while3A_748 : i32
      %swap3A_891 = arith.index_cast %add3A_890 : i32 to index
      %swap3A_892 = arith.constant 448 : index
      %swap3A_893 = tpu.vector_load %arg8[%swap3A_891, %swap3A_892] {strides = array<i32>} : memref<128x512xf32, #tpu.memory_space<vmem>>, vector<16xf32>,
      tpu.vector_store %arg8[%swap3A_891, %swap3A_892], %get3A_637 {strides = array<i32>} : memref<128x512xf32, #tpu.memory_space<vmem>>, vector<16xf32>,
      %add3A_894 = arith.constant 64 : i32
      %add3A_895 = arith.addi %add3A_894, %while3A_748 : i32
      %swap3A_896 = arith.index_cast %add3A_895 : i32 to index
      %swap3A_897 = arith.constant 464 : index
      %swap3A_898 = tpu.vector_load %arg8[%swap3A_896, %swap3A_897] {strides = array<i32>} : memref<128x512xf32, #tpu.memory_space<vmem>>, vector<16xf32>,
      tpu.vector_store %arg8[%swap3A_896, %swap3A_897], %get3A_641 {strides = array<i32>} : memref<128x512xf32, #tpu.memory_space<vmem>>, vector<16xf32>,
      %add3A_899 = arith.constant 64 : i32
      %add3A_900 = arith.addi %add3A_899, %while3A_748 : i32
      %swap3A_901 = arith.index_cast %add3A_900 : i32 to index
      %swap3A_902 = arith.constant 480 : index
      %swap3A_903 = tpu.vector_load %arg8[%swap3A_901, %swap3A_902] {strides = array<i32>} : memref<128x512xf32, #tpu.memory_space<vmem>>, vector<16xf32>,
      tpu.vector_store %arg8[%swap3A_901, %swap3A_902], %get3A_645 {strides = array<i32>} : memref<128x512xf32, #tpu.memory_space<vmem>>, vector<16xf32>,
      %add3A_904 = arith.constant 64 : i32
      %add3A_905 = arith.addi %add3A_904, %while3A_748 : i32
      %swap3A_906 = arith.index_cast %add3A_905 : i32 to index
      %swap3A_907 = arith.constant 496 : index
      %swap3A_908 = tpu.vector_load %arg8[%swap3A_906, %swap3A_907] {strides = array<i32>} : memref<128x512xf32, #tpu.memory_space<vmem>>, vector<16xf32>,
      tpu.vector_store %arg8[%swap3A_906, %swap3A_907], %get3A_649 {strides = array<i32>} : memref<128x512xf32, #tpu.memory_space<vmem>>, vector<16xf32>,
    }
    %dma_start3A_715 = arith.constant 64 : i32
    %dma_start3A_716 = arith.constant 0 : i32
    %dma_start3A_717 = tpu.memref_slice %arg8[%dma_start3A_715, %dma_start3A_716] : memref<128x512xf32, #tpu.memory_space<vmem>> -> memref<64x512xf32, #tpu.memory_space<vmem>>
    %dma_start3A_718 = arith.constant 0 : i32
    %dma_start3A_719 = tpu.memref_slice %arg4[%add3A_653, %dma_start3A_718] : memref<4096x512xf32, #tpu.memory_space<hbm>> -> memref<64x512xf32, #tpu.memory_space<hbm>>
    %dma_start3A_720 = arith.constant 0 : i32
    %dma_start3A_721 = tpu.memref_slice %arg4[%add3A_653, %dma_start3A_720] : memref<4096x512xf32, #tpu.memory_space<hbm>> -> memref<64x512xf32, #tpu.memory_space<hbm>>
    %dma_start3A_722 = arith.constant 64 : i32
    %dma_start3A_723 = arith.constant 0 : i32
    %dma_start3A_724 = tpu.memref_slice %arg8[%dma_start3A_722, %dma_start3A_723] : memref<128x512xf32, #tpu.memory_space<vmem>> -> memref<64x512xf32, #tpu.memory_space<vmem>>
    tpu.enqueue_dma source(%dma_start3A_724 : memref<64x512xf32, #tpu.memory_space<vmem>>) target(%dma_start3A_721 : memref<64x512xf32, #tpu.memory_space<hbm>>) target_semaphore(%arg17 : memref<!tpu.dma_semaphore, #tpu.memory_space<semaphore_mem>>)
    %eq3A_725 = arith.constant 0 : i32
    %eq3A_726 = arith.cmpi eq, %add3A, %eq3A_725 : i32
    %convert_element_type3A = arith.extui %eq3A_726 : i1 to i32
    %cond3A = arith.constant 0 : i32
    %cond3A_727 = arith.cmpi ne, %convert_element_type3A, %cond3A : i32
    scf.if %cond3A_727 {
      %get3A_748 = arith.constant 0 : index
      %get3A_749 = tpu.vector_load %arg6[%get3A_748] {strides = array<i32>} : memref<16xi32, #tpu.memory_space<vmem>>, vector<16xi32>,
      %shift_right_logical3A_750 = arith.constant 3 : i32
      %shift_right_logical3A_751 = vector.broadcast %shift_right_logical3A_750 : i32 to vector<16xi32>
      %shift_right_logical3A_752 = arith.shrui %get3A_749, %shift_right_logical3A_751 : vector<16xi32>
      %min3A_753 = arith.constant 1 : i32
      %min3A_754 = vector.broadcast %min3A_753 : i32 to vector<16xi32>
      %min3A_755 = arith.minsi %min3A_754, %shift_right_logical3A_752 : vector<16xi32>
      %swap3A_756 = arith.constant 0 : index
      %swap3A_757 = tpu.vector_load %arg10[%swap3A_756] {strides = array<i32>} : memref<16xi32, #tpu.memory_space<vmem>>, vector<16xi32>,
      tpu.vector_store %arg10[%swap3A_756], %min3A_755 {strides = array<i32>} : memref<16xi32, #tpu.memory_space<vmem>>, vector<16xi32>,
      "tpu.region"() ({
        %run_scoped3A = tpu.sem_alloc : memref<!tpu.dma_semaphore, #tpu.memory_space<semaphore_mem>>
        tpu.enqueue_dma source(%arg10 : memref<16xi32, #tpu.memory_space<vmem>>) target(%arg5 : memref<16xi32, #tpu.memory_space<hbm>>) target_semaphore(%run_scoped3A : memref<!tpu.dma_semaphore, #tpu.memory_space<semaphore_mem>>)
        tpu.wait_dma2 semaphore(%run_scoped3A : memref<!tpu.dma_semaphore, #tpu.memory_space<semaphore_mem>>) src(%arg10 : memref<16xi32, #tpu.memory_space<vmem>>) dst(%arg5 : memref<16xi32, #tpu.memory_space<hbm>>)
        tpu.yield
      }) : () -> ()
    } else {
    }
    %dma_wait3A_728 = arith.constant 0 : i32
    %dma_wait3A_729 = arith.constant 0 : i32
    %dma_wait3A_730 = tpu.memref_slice %arg8[%dma_wait3A_728, %dma_wait3A_729] : memref<128x512xf32, #tpu.memory_space<vmem>> -> memref<64x512xf32, #tpu.memory_space<vmem>>
    %dma_wait3A_731 = arith.constant 0 : i32
    %dma_wait3A_732 = tpu.memref_slice %arg4[%add3A_651, %dma_wait3A_731] : memref<4096x512xf32, #tpu.memory_space<hbm>> -> memref<64x512xf32, #tpu.memory_space<hbm>>
    %dma_wait3A_733 = arith.constant 0 : i32
    %dma_wait3A_734 = tpu.memref_slice %arg4[%add3A_651, %dma_wait3A_733] : memref<4096x512xf32, #tpu.memory_space<hbm>> -> memref<64x512xf32, #tpu.memory_space<hbm>>
    %dma_wait3A_735 = arith.constant 0 : i32
    %dma_wait3A_736 = arith.constant 0 : i32
    %dma_wait3A_737 = tpu.memref_slice %arg8[%dma_wait3A_735, %dma_wait3A_736] : memref<128x512xf32, #tpu.memory_space<vmem>> -> memref<64x512xf32, #tpu.memory_space<vmem>>
    tpu.wait_dma2 semaphore(%arg16 : memref<!tpu.dma_semaphore, #tpu.memory_space<semaphore_mem>>) src(%dma_wait3A_737 : memref<64x512xf32, #tpu.memory_space<vmem>>) dst(%dma_wait3A_734 : memref<64x512xf32, #tpu.memory_space<hbm>>)
    %dma_wait3A_738 = arith.constant 64 : i32
    %dma_wait3A_739 = arith.constant 0 : i32
    %dma_wait3A_740 = tpu.memref_slice %arg8[%dma_wait3A_738, %dma_wait3A_739] : memref<128x512xf32, #tpu.memory_space<vmem>> -> memref<64x512xf32, #tpu.memory_space<vmem>>
    %dma_wait3A_741 = arith.constant 0 : i32
    %dma_wait3A_742 = tpu.memref_slice %arg4[%add3A_653, %dma_wait3A_741] : memref<4096x512xf32, #tpu.memory_space<hbm>> -> memref<64x512xf32, #tpu.memory_space<hbm>>
    %dma_wait3A_743 = arith.constant 0 : i32
    %dma_wait3A_744 = tpu.memref_slice %arg4[%add3A_653, %dma_wait3A_743] : memref<4096x512xf32, #tpu.memory_space<hbm>> -> memref<64x512xf32, #tpu.memory_space<hbm>>
    %dma_wait3A_745 = arith.constant 64 : i32
    %dma_wait3A_746 = arith.constant 0 : i32
    %dma_wait3A_747 = tpu.memref_slice %arg8[%dma_wait3A_745, %dma_wait3A_746] : memref<128x512xf32, #tpu.memory_space<vmem>> -> memref<64x512xf32, #tpu.memory_space<vmem>>
    tpu.wait_dma2 semaphore(%arg17 : memref<!tpu.dma_semaphore, #tpu.memory_space<semaphore_mem>>) src(%dma_wait3A_747 : memref<64x512xf32, #tpu.memory_space<vmem>>) dst(%dma_wait3A_744 : memref<64x512xf32, #tpu.memory_space<hbm>>)
    return
  }
}

</mosaic_0001>

<sc_bundles>
// kernel: kernel.3.cloned.1.call-start
scs
__scs_entry_jumppad:
0x0: {  	(pc) =	sbr.rel $0x88, $3  }
0x1: {  	(tag) =	ssettag $0x0;
	lr =	simm.s32 $0x1  }
0x2: {  	[smem:$0x3F9F] =	sst lr;
	_ =	strace $0xD0000000  }
0x3: {  	_ = 	snop  }
0x4: {  	_ = 	snop  }
0x5: {  	_ = 	snop  }
0x6: {  	_ = 	snop  }
0x7: {  	_ = 	snop  }
__scs_overlays_trampoline_lowered:
0x8: {  	[smem:$0x3FAE] =	sst s0  }
0x9: {  	[smem:$0x3FAF] =	sst s1  }
0xa: {  	[smem:$0x3FB0] =	sst s2  }
0xb: {  	[smem:$0x3FB1] =	sst s3  }
0xc: {  	[smem:$0x3FB2] =	sst s4  }
0xd: {  	[smem:$0x3FB3] =	sst s5  }
0xe: {  	[smem:$0x3FB4] =	sst s6  }
0xf: {  	[smem:$0x3FB5] =	sst s7  }
0x10: {  	[smem:$0x3FB6] =	sst s8  }
0x11: {  	[smem:$0x3FB7] =	sst s9;
	s0 =	simm.s32 @!p0 $0x0  }
0x12: {  	s1 =	sld [smem:$0x3F9D];
	s0 =	simm.s32 @p0 $0x1  }
0x13: {  	[smem:$0x3FB8] =	sst s0;
	s0 =	simm.s32 @!p1 $0x0  }
0x14: {  	s2 =	sld [smem:$0x3F9C];
	s0 =	simm.s32 @p1 $0x1  }
0x15: {  	[smem:$0x3FB9] =	sst s0;
	s0 =	simm.s32 @!p2 $0x0  }
0x16: {  	s3 =	sld [smem:$0x3FDB];
	s0 =	simm.s32 @p2 $0x1  }
0x17: {  	s4 =	simm.s32 $0x1BF5;
	[smem:$0x3FBB] =	sst s0  }
0x18: {  	s0 =	sld [smem:$0x3F9E];
	_ =	swait.ge [sflag:s4], $0x0  }
0x19: {  	s7 =	sld [smem:$0x3F9F]  }
0x1a: {  	s8 =	sadd.s32 $0xFFFFE003, lr  }
0x1b: {  	s9 =	sadd.s32 $0xFFFFFEF7, lr;
	s5 =	simm.s32 $0xFFFFFFFF;
	p2 =	slt.u32 s8, $0xFFFFF086  }
0x1c: {  	p1 =	slt.u32 s9, $0xF7A;
	s5 =	simm.s32 @!p2 $0x0  }
0x1d: {  	s5 =	simm.s32 @p1 $0x1;
	p0 =	seq.s32 s7, s2  }
0x1e: {  	s7 =	smul.u32 @!p0 $0xF7A, s2;
	p2 =	seq.s32 @!p0 s5, $0x0  }
0x1f: {  	s9 =	smul.u32 $0xF7A, s1;
	s8 =	simm.s32 @!p0 $0x1BF5;
	p2 =	por !p2, p0  }
0x20: {  	[sflag:s8] =	ssyncset.s32 @!p0 $0xFFFFF086;
	s6 =	sadd.s32 @!p0 s3, s7;
	s7 =	simm.s32 @!p0 $0x108  }
0x21: {  	s3 =	sadd.s32 s3, s9;
	s6 =	sadd.s32 @!p0 $0x88, s6;
	s7 =	simm.s32 @p2 $0x1082  }
0x22: {  	[simem:s7], [sflag:s8] =	dma.local @!p0 [hbm:s6], $0xF7A  }
0x23: {  	s9 =	sor.u32 $0xD0000000, s2;
	s6 =	simm.s32 $0x108;
	_ =	swait.ge @!p0 [sflag:s8], $0x0  }
0x24: {  	s3 =	sadd.s32 $0x88, s3;
	s6 =	simm.s32 @!p1 $0x1082;
	[sflag:s4] =	ssyncset.s32 $0xFFFFF086  }
0x25: {  	[simem:s6], [sflag:s4] =	dma.local [hbm:s3], $0xF7A  }
0x26: {  	[smem:$0x3F9F] =	sst s1;
	(tag) =	ssettag s2;
	_ =	strace s9  }
0x27: {  	s1 =	sld [smem:$0x3FAF]  }
0x28: {  	s2 =	sld [smem:$0x3FB0]  }
0x29: {  	s4 =	sld [smem:$0x3FB2]  }
0x2a: {  	p0 =	seq.s32 s5, $0x0;
	s5 =	sld [smem:$0x3FB3]  }
0x2b: {  	s6 =	sld [smem:$0x3FB4]  }
0x2c: {  	s7 =	sld [smem:$0x3FB5]  }
0x2d: {  	s3 =	simm.s32 $0x108;
	s8 =	sld [smem:$0x3FB6]  }
0x2e: {  	s3 =	simm.s32 @!p0 $0x1082;
	s9 =	sld [smem:$0x3FB7]  }
0x2f: {  	lr =	sadd.s32 s0, s3;
	s0 =	sld [smem:$0x3FAE]  }
0x30: {  	s3 =	sld [smem:$0x3FB1]  }
0x31: {  	[smem:$0x3FBA] =	sst s10  }
0x32: {  	s10 =	sld [smem:$0x3FB8];
	_ =	sdelay $0x3  }
0x33: {  	p0 =	seq.s32 s10, $0x1;
	s10 =	sld [smem:$0x3FBA];
	_ =	sdelay $0x3  }
0x34: {  	[smem:$0x3FBA] =	sst s10  }
0x35: {  	s10 =	sld [smem:$0x3FB9];
	_ =	sdelay $0x3  }
0x36: {  	p1 =	seq.s32 s10, $0x1;
	s10 =	sld [smem:$0x3FBA];
	_ =	sdelay $0x3  }
0x37: {  	[smem:$0x3FBA] =	sst s10  }
0x38: {  	s10 =	sld [smem:$0x3FBB]  }
0x39: {  	_ = 	snop;
	(pc) =	sbr.ind lr, $3  }
0x3a: {  	_ = 	snop  }
0x3b: {  	_ = 	snop  }
0x3c: {  	p2 =	seq.s32 s10, $0x1;
	s10 =	sld [smem:$0x3FBA]  }
0x3d: {  	_ =	shalt  }
0x3e: {  	_ =	shalt  }
0x3f: {  	_ =	shalt  }
0x40: {  	_ =	shalt  }
0x41: {  	_ =	shalt  }
0x42: {  	_ =	shalt  }
0x43: {  	_ =	shalt  }
0x44: {  	_ =	shalt  }
0x45: {  	_ =	shalt  }
0x46: {  	_ =	shalt  }
0x47: {  	_ =	shalt  }
0x48: {  	_ =	shalt  }
0x49: {  	_ =	shalt  }
0x4a: {  	_ =	shalt  }
0x4b: {  	_ =	shalt  }
0x4c: {  	_ =	shalt  }
0x4d: {  	_ =	shalt  }
0x4e: {  	_ =	shalt  }
0x4f: {  	_ =	shalt  }
0x50: {  	_ =	shalt  }
0x51: {  	_ =	shalt  }
0x52: {  	_ =	shalt  }
0x53: {  	_ =	shalt  }
0x54: {  	_ =	shalt  }
0x55: {  	_ =	shalt  }
0x56: {  	_ =	shalt  }
0x57: {  	_ =	shalt  }
0x58: {  	_ =	shalt  }
0x59: {  	_ =	shalt  }
0x5a: {  	_ =	shalt  }
0x5b: {  	_ =	shalt  }
0x5c: {  	_ =	shalt  }
0x5d: {  	_ =	shalt  }
0x5e: {  	_ =	shalt  }
0x5f: {  	_ =	shalt  }
0x60: {  	_ =	shalt  }
0x61: {  	_ =	shalt  }
0x62: {  	_ =	shalt  }
0x63: {  	_ =	shalt  }
0x64: {  	_ =	shalt  }
0x65: {  	_ =	shalt  }
0x66: {  	_ =	shalt  }
0x67: {  	_ =	shalt  }
0x68: {  	_ =	shalt  }
0x69: {  	_ =	shalt  }
0x6a: {  	_ =	shalt  }
0x6b: {  	_ =	shalt  }
0x6c: {  	_ =	shalt  }
0x6d: {  	_ =	shalt  }
0x6e: {  	_ =	shalt  }
0x6f: {  	_ =	shalt  }
0x70: {  	_ =	shalt  }
0x71: {  	_ =	shalt  }
0x72: {  	_ =	shalt  }
0x73: {  	_ =	shalt  }
0x74: {  	_ =	shalt  }
0x75: {  	_ =	shalt  }
0x76: {  	_ =	shalt  }
0x77: {  	_ =	shalt  }
0x78: {  	_ =	shalt  }
0x79: {  	_ =	shalt  }
0x7a: {  	_ =	shalt  }
0x7b: {  	_ =	shalt  }
0x7c: {  	_ =	shalt  }
0x7d: {  	_ =	shalt  }
0x7e: {  	_ =	shalt  }
0x7f: {  	_ =	shalt  }
0x80: {  	_ =	shalt  }
0x81: {  	_ =	shalt  }
0x82: {  	_ =	shalt  }
0x83: {  	_ =	shalt  }
0x84: {  	_ =	shalt  }
0x85: {  	_ =	shalt  }
0x86: {  	_ =	shalt  }
0x87: {  	_ =	shalt  }
.Lfunc_end0:
.L_simem_size_0:
called_computation_lowered:
.L_overlay_start_0:
0x88: {  	s2 =	sld [smem:$0x3FD9]  }
0x89: {  	s3 =	sld [smem:$0x3FFE];
	_ =	sdelay $0x1  }
0x8a: {  	s1 =	srdreg.scid  }
0x8b: {  	s0 =	sand.u32 $0x1, s1  }
0x8c: {  	s15 =	sshll.u32 s0, $0xA;
	s2 =	sadd.s32 s3, s2  }
0x8d: {  	s2 =	sadd.s32 s2, s15  }
0x8e: {  	[smem:$0x3FC6] =	sst s2  }
0x8f: {  	_ = 	snop  }
0x90: {  	s2 =	sld [smem:$0x3FD0];
	_ =	sdelay $0x1  }
0x91: {  	s16 =	sld [smem:$0x3FC9]  }
0x92: {  	s5 =	simm.s32 $0xA;
	s6 =	simm.s32 $0x10;
	s4 =	sld [smem:$0x3FC8]  }
0x93: {  	[smem:s6], [sflag:s5] =	dma.local [hbm:s2], $0x1  }
0x94: {  	_ =	swait.eq [sflag:s5], $0x1  }
0x95: {  	[sflag:s5] =	ssyncset.done $0x0  }
0x96: {  	s17 =	sld [smem:$0x10];
	[sflag:s5] =	ssyncadd.s32 $0xFFFFFFFF  }
0x97: {  	s18 =	sld [smem:$0x11];
	(tm) =	ssettm $0x1  }
0x98: {  	s19 =	sld [smem:$0x3FFB];
	_ =	sdelay $0x3  }
0x99: {  	_ =	strace s19  }
0x9a: {  	s6 =	sld [smem:$0x3FFC];
	_ =	sdelay $0x3  }
0x9b: {  	_ =	strace s6  }
0x9c: {  	s6 =	sld [smem:$0x3FFD];
	_ =	sdelay $0x3  }
0x9d: {  	_ =	strace s6  }
0x9e: {  	_ =	strace $0x8FFFFFFF  }
0x9f: {  	s20 =	sld [smem:$0x3FDB];
	_ =	sdelay $0x1  }
0xa0: {  	s7 =	simm.s32 $_scs_section_size  }
0xa1: {  	s8 =	simm.s32 $_size__tile_overlayer_lowered;
	s9 =	simm.s32 $_tile_overlayer_lowered  }
0xa2: {  	s23 =	simm.s32 $0x1BFF;
	s22 =	sshll.u32 s9, $0x1;
	s6 =	sadd.s32 s7, s20  }
0xa3: {  	s10 =	simm.s32 $0x0;
	s21 =	sshll.u32 s8, $0x1;
	s8 =	sadd.s32 s22, s6  }
0xa4: {  	[timem:s10], [sflag:s23] =	dma.local [hbm:s8], s21  }
0xa5: {  	_ =	swait.ge [sflag:s23], s21  }
0xa6: {  	s7 =	ssub.s32 $0x0, s21;
	[sflag:s23] =	ssyncset.done $0x0  }
0xa7: {  	[sflag:s23] =	ssyncadd.s32 s7;
	_ =	sdelay $0x1  }
0xa8: {  	s24 =	simm.s32 $0x1B8B  }
0xa9: {  	_ =	swait.ge [sflag:s24], $0x1  }
0xaa: {  	[sflag:s24] =	ssyncset.done $0x0  }
0xab: {  	s25 =	simm.s32 $0x1B8E;
	[sflag:s24] =	ssyncadd.s32 $0xFFFFFFFF  }
0xac: {  	s26 =	simm.s32 $execute0_lowered;
	[smem:$0x3FD2] =	sst s25  }
0xad: {  	s7 =	sshll.u32 s26, $0x1;
	_ =	strace $0x80000046;
	[dreg:$0x1] =	wrdreg $0xFFFFFFFF  }
0xae: {  	s28 =	simm.s32 $_size_execute0_lowered;
	s6 =	sadd.s32 s6, s7;
	[dreg:$0x0] =	wrdreg $0x0  }
0xaf: {  	s7 =	sshll.u32 s28, $0x1;
	[dreg:$0x2] =	wrdreg s6  }
0xb0: {  	[dreg:$0x3] =	wrdreg s7  }
0xb1: {  	[dreg:$0x4] =	wrdreg $0xC0  }
0xb2: {  	_ =	task [dreg:s10], $0x5FFFF  }
0xb3: {  	[dreg:$0x1] =	wrdreg $0xFFFFFFFF  }
0xb4: {  	[dreg:$0x0] =	wrdreg $0x60  }
0xb5: {  	[dreg:$0x2] =	wrdreg s16  }
0xb6: {  	[dreg:$0x3] =	wrdreg s4  }
0xb7: {  	[dreg:$0x4] =	wrdreg s17  }
0xb8: {  	[dreg:$0x5] =	wrdreg s18  }
0xb9: {  	[dreg:$0x6] =	wrdreg $0x9  }
0xba: {  	_ =	task.clear_ibuf [dreg:s10], $0x7FFFF;
	_ =	strace $0x90000046  }
0xbb: {  	s29 =	simm.s32 $0x9;
	_ =	strace $0x80000048  }
0xbc: {  	_ =	swait.ge [sflag:s29], $0x1  }
0xbd: {  	[sflag:s29] =	ssyncadd.s32 $0xFFFFFFFF  }
0xbe: {  	_ =	strace $0x90000048  }
0xbf: {  	_ =	sfence  }
0xc0: {  	s30 =	sld [smem:$0x0];
	_ =	sdelay $0x2  }
0xc1: {  	s31 =	sshll.u32 s1, $0xD;
	s1 =	sshrl.u32 s1, $0x2  }
0xc2: {  	s3 =	sand.u32 $0x4000, s31;
	s1 =	sadd.s32 s1, s30  }
0xc3: {  	s0 =	sor.u32 s3, s0;
	s1 =	sshll.u32 s1, $0x11  }
0xc4: {  	s0 =	sor.u32 s1, s0  }
0xc5: {  	s0 =	sadd.s32 $0x8F2B, s0  }
0xc6: {  	[sflag:s0] =	ssyncadd.remote.s32 $0x1  }
0xc7: {  	_ =	sfence.sel $0xFFFF  }
0xc8: {  	[dreg:$0x0] =	wrdreg $0xFFFFFFFF;
	(pc) =	sbr.abs _section_cstart, $3  }
0xc9: {  	[dreg:$0x1] =	wrdreg $0xFFFFFFFF  }
0xca: {  	_ =	task.clear_ibuf [dreg:s10], $0x2FFFF;
	_ =	strace $0x9FFFFFFF  }
0xcb: {  	(tm) =	ssettm $0x7FFFFFFF  }
tec
execute0_lowered:
.L_overlay_start_1:
0x0: {  	(tag) =	ssettag $0x1  }
0x1: {  	s9 =	stileid.u32;
	v37 =	vlaneseq.u32  }
0x2: {  	vm1 =	vmmov $0xffff;
	v2 =	vmov s9;
	v5 =	vmul.u32 $0x8, v37  }
0x3: {  	s0 =	srdreg.scid;
	v8 =	vor.u32 $0x40, v37;
	v12 =	vor.u32 $0x50, v37;
	v13 =	vor.u32 $0x60, v37  }
0x4: {  	s3 =	sand.u32 $0x1, s0;
	s24 =	sshll.u32 s9, $0x1;
	v14 =	vor.u32 $0x70, v37;
	v35 =	vand.u32 $0x7, v37;
	v2 =	vbroadcast v2, $0x0  }
0x5: {  	s1 =	rddreg [dreg:$0x0];
	s0 =	sor.u32 s3, s24;
	v9 =	vor.u32 $0x380, v5;
	v10 =	vor.u32 $0x300, v5;
	v29 =	vor.u32 $0x280, v5  }
0x6: {  	s17 =	rddreg [dreg:$0x1];
	s4 =	sshll.u32 s0, $0x7;
	v25 =	vor.u32 $0x200, v5;
	v24 =	vor.u32 $0x180, v5;
	v19 =	vor.u32 $0x80, v5  }
0x7: {  	s2 =	rddreg [dreg:$0x2];
	s5 =	simm.s32 $0x0;
	s26 =	sshll.u32 s0, $0xA;
	v5 =	vor.u32 $0x100, v5;
	v0 =	vmov s4;
	v1 =	vor.u32 s4, v37  }
0x8: {  	[smem:$0x7FF] =	sst s5;
	v7 =	vor.u32 s26, v37;
	v15 =	vor.u32 s26, v12;
	v16 =	vor.u32 s26, v13  }
0x9: {  	s18 =	rddreg [dreg:$0x3];
	_ =	strace $0x80000047;
	[tilespmem:$0x1FFB0] =	vst v2;
	v17 =	vor.u32 s26, v14;
	v4 =	vand.u32 $0xF00, v0;
	v2 =	vshrl.u32 v0, $0x8  }
0xa: {  	[tilespmem:$0x1FFC0] =	vst v7;
	v7 =	vor.u32 $0x30, v37;
	v3 =	vsub.s32 v1, v4;
	v6 =	vxor.u32 $0xFFFFFFFF, v4  }
0xb: {  	s11 =	simm.s32 $0x6;
	s19 =	simm.s32 $0x80;
	v21 =	vshll.u32 v2, $0xB;
	v0 =	vshll.u32 v3, $0x3;
	v3 =	vor.u32 $0x10, v37  }
0xc: {  	s20 =	simm.s32 $0x400;
	s15 =	simm.s32 $0x180;
	s21 =	simm.s32 $0xE180;
	vm0 =	veq.s32 v1, v4;
	v18 =	vadd.s32 s4, v6;
	v6 =	vor.u32 s26, v3  }
0xd: {  	s22 =	simm.s32 $0xE980;
	s23 =	simm.s32 $0xF180;
	s28 =	simm.s32 $0x2;
	v31 =	vshll.u32 v18, $0x3;
	v18 =	vadd.s32 $0xFFFFFFF8, v0;
	v20 =	vadd.s32 $0xFFFFFFF9, v0  }
0xe: {  	s29 =	simm.s32 $0x4;
	s30 =	simm.s32 $0x5;
	s7 =	sshll.u32 s9, $0x11;
	v0 =	vshrl.u32 v37, $0x3;
	[tilespmem:$0x1FFD0] =	vst v6;
	v6 =	vor.u32 $0x20, v37;
	v19 =	vadd.s32 v19, v31  }
0xf: {  	s31 =	simm.s32 $0x0;
	s6 =	ssub.s32 $0x2, s3;
	s7 =	sadd.s32 s7, s1;
	v23 =	vadd.s32 v5, v31;
	v24 =	vadd.s32 v24, v31;
	v25 =	vadd.s32 v25, v31  }
.Ltmp0:
0x10: {  	p0 =	seq.s32 s3, $0x0;
	s3 =	simm.s32 $0x8180;
	v29 =	vadd.s32 v29, v31;
	v30 =	vadd.s32 v10, v31;
	v31 =	vadd.s32 v9, v31;
	(pc) =	sbr.rel .LBB2_1-.Ltmp0, $4  }
0x11: {  	s24 =	simm.s32 $0xF980;
	s8 =	sshrl.u32 s6, $0x1;
	s25 =	sshll.u32 s0, $0xD;
	v36 =	vmul.u32 $0x8, v0;
	v37 =	vor.u32 $0x8, v37;
	v11 =	vor.u32 s26, v6  }
0x12: {  	p1 =	sne.s32 s0, $0x0;
	s10 =	ssub.s32 s6, s8;
	s6 =	sadd.s32 $0x1FE70, s7;
	v22 =	vor.u32 $0x1, v19;
	v26 =	vor.u32 $0x1, v23;
	v27 =	vor.u32 $0x1, v24  }
0x13: {  	s7 =	sadd.s32 s2, s25;
	s8 =	sadd.s32 $0x100, s1;
	s25 =	simm.s32 $0x3;
	v28 =	vor.u32 $0x1, v25;
	v32 =	vor.u32 $0x1, v29;
	[tilespmem:$0x1FFE0] =	vst v11;
	v11 =	vor.u32 s26, v7  }
0x14: {  	s9 =	sadd.s32 $0x1000, s7;
	s10 =	smax.u32 s10, $0x1;
	v33 =	vor.u32 $0x1, v30;
	v34 =	vor.u32 $0x1, v31;
	[tilespmem:$0x1FFF0] =	vst v11;
	v11 =	vor.u32 s26, v8;
	s26 =	simm.s32 $0x1  }
.LBB2_9:
0x15: {  	_ = 	snop  }
.LBB2_12:
0x16: {  	s2 =	sor.u32 s16, s14;
	[tilespmem:s0+$0x8DE0] =	vst @p2 v9  }
0x17: {  	[tilespmem:s2+$0x8DF0] =	vst v10  }
0x18: {  	[tilespmem:s2+$0x8180] =	vst v38  }
0x19: {  	[tilespmem:s2+$0x8190] =	vst v39  }
0x1a: {  	[tilespmem:s2+$0x81A0] =	vst v40  }
0x1b: {  	[tilespmem:s2+$0x81B0] =	vst v41  }
0x1c: {  	[tilespmem:s2+$0x81C0] =	vst v42  }
0x1d: {  	[tilespmem:s2+$0x81D0] =	vst v43  }
0x1e: {  	[tilespmem:s2+$0x81E0] =	vst v44  }
0x1f: {  	[tilespmem:s2+$0x81F0] =	vst v45  }
0x20: {  	[tilespmem:s2+$0x8580] =	vst v46  }
0x21: {  	[tilespmem:s2+$0x8590] =	vst v47  }
0x22: {  	[tilespmem:s2+$0x85A0] =	vst v48  }
0x23: {  	[tilespmem:s2+$0x85B0] =	vst v49  }
0x24: {  	[tilespmem:s2+$0x85C0] =	vst v50  }
0x25: {  	[tilespmem:s2+$0x85D0] =	vst v51  }
0x26: {  	[tilespmem:s2+$0x85E0] =	vst v52  }
0x27: {  	[tilespmem:s2+$0x85F0] =	vst v53  }
0x28: {  	[tilespmem:s2+$0x8980] =	vst v54  }
0x29: {  	[tilespmem:s2+$0x8990] =	vst v55  }
0x2a: {  	[tilespmem:s2+$0x89A0] =	vst v56  }
0x2b: {  	[tilespmem:s2+$0x89B0] =	vst v57  }
0x2c: {  	[tilespmem:s2+$0x89C0] =	vst v58  }
0x2d: {  	[tilespmem:s2+$0x89D0] =	vst v59  }
0x2e: {  	[tilespmem:s2+$0x89E0] =	vst v60  }
0x2f: {  	[tilespmem:s2+$0x89F0] =	vst v61  }
0x30: {  	[tilespmem:s2+$0x8D80] =	vst v62  }
0x31: {  	[tilespmem:s2+$0x8D90] =	vst v63  }
0x32: {  	[tilespmem:s2+$0x8DA0] =	vst v0  }
0x33: {  	[tilespmem:s2+$0x8DB0] =	vst v1  }
0x34: {  	[tilespmem:s2+$0x8DC0] =	vst v4  }
0x35: {  	[tilespmem:s2+$0x8DD0] =	vst v5  }
0x36: {  	[tilespmem:s2+$0x8DE0] =	vst v9  }
.LBB2_13:
0x37: {  	[hbm4b:s9+s5] =	stream.linear.scatter [tilespmem:s3], [sflag:$0x5], $0x8000, $0x38;
	[tilespmem:$0x10400] =	vst v63  }
0x38: {  	v0 =	vld @!p1 [tilespmem:$0x0];
	_ =	sdelay $0x4  }
0x39: {  	vm2 =	vgt.u32 @!p1 v0, $0x7;
	v0 =	vimm.s32 @!p1 $0x0  }
0x3a: {  	v0 =	vsel @!p1 vm2, $0x1, v0  }
0x3b: {  	s0 =	simm.s32 @!p1 $0x0;
	s2 =	simm.s32 @!p1 $0x10380;
	[tilespmem:$0x10380] =	vst @!p1 v0  }
0x3c: {  	[hbm4b:s18+s0] =	stream.linear.scatter @!p1 [tilespmem:s2], [sflag:$0x6], $0x80, $0x38;
	[tilespmem:$0x10400] =	vst v63  }
0x3d: {  	s0 =	simm.s32 @!p1 $0x6  }
0x3e: {  	_ =	swait.ge @!p1 [sflag:s0], $0x80  }
0x3f: {  	[sflag:s0] =	ssyncset.done @!p1 $0x0  }
0x40: {  	s31 =	sadd.s32 $0x1, s31;
	[sflag:s0] =	ssyncadd.s32 @!p1 $0xFFFFFF80  }
0x41: {  	p2 =	sne.s32 s31, s10;
	_ =	swait.ge [sflag:s29], $0x8000  }
.Ltmp1:
0x42: {  	[sflag:s29] =	ssyncset.done $0x0;
	(pc) =	sbr.rel @!p2 .LBB2_14-.Ltmp1, $4  }
0x43: {  	[sflag:s29] =	ssyncadd.s32 $0xFFFF8000  }
0x44: {  	_ =	swait.ge [sflag:s30], $0x8000  }
0x45: {  	[sflag:s30] =	ssyncset.done $0x0  }
0x46: {  	[sflag:s30] =	ssyncadd.s32 $0xFFFF8000  }
.LBB2_1:
0x47: {  	[tilespmem:s5], [sflag:$0x6] =	stream.linear.gather [hbm4b:s17+s5], $0x80, $0x38;
	[tilespmem:$0x10400] =	vst v63  }
0x48: {  	_ =	swait.ge [sflag:s11], $0x80  }
0x49: {  	v0 =	vld [tilespmem:$0x1FFB0];
	_ =	sdelay $0x4  }
0x4a: {  	[sflag:s11] =	ssyncset.done $0x0  }
0x4b: {  	s0 =	simm.s32 $0x10180;
	[sflag:s11] =	ssyncadd.s32 $0xFFFFFF80  }
0x4c: {  	[tilespmem:s0], [sflag:$0x3] =	stream.strided.gather [hbm4b:s6+s19], $0x200, s20, s19, $0x38;
	[tilespmem:$0x10400] =	vst v63  }
0x4d: {  	v0 =	vld.idx.msk [tilespmem:v0+s5+$0x0], $0xffff;
	_ =	sdelay $0x4  }
0x4e: {  	v0 =	vxor.u32 $0x80000000, v0  }
0x4f: {  	(xrf0) =	vmax.scan.msk.u32 $0xffff, v0;
	_ =	sdelay $0x5  }
0x50: {  	v0, _, _ =	vpop (xrf0)  }
0x51: {  	(v2sf) =	vpush v0, $0xF;
	_ =	sdelay $0xa  }
0x52: {  	v0 =	vld.idx.msk [tilespmem:v2+s5+$0x0], $0xffff;
	_ =	sdelay $0x3  }
0x53: {  	s14 =	spop (v2sf)  }
0x54: {  	v1 =	vand.u32 $0x7, v0;
	s0 =	sshrl.u32 s14, $0x3  }
0x55: {  	v4 =	vadd.s32 $0xFFFFFFFF, v0;
	v1 =	vadd.s32 $0x7, v1;
	s0 =	sxor.u32 $0x10000000, s0  }
0x56: {  	vm2 =	vlt.s32 v4, v1;
	s2 =	smax.u32 s0, $0x1;
	s0 =	smax.u32 s0, $0x7F  }
0x57: {  	v1 =	vsel vm2, v4, v1;
	s2 =	smin.u32 s2, $0x7F;
	s0 =	smin.u32 s0, $0xFF  }
0x58: {  	v4 =	vadd.s32 v1, v18;
	s2 =	sadd.s32 $0x1, s2;
	s0 =	sadd.s32 $0xFFFFFF81, s0  }
0x59: {  	vm2 =	vlt.s32 v4, v0;
	s0 =	smov.u32 @p0 s2  }
0x5a: {  	v0 =	vadd.s32 v20, v1;
	v4 =	vlaneseq.u32;
	v1 =	vmov s0  }
0x5b: {  	v0 =	vnsel vm2, $0x7FF, v0;
	vm2 =	vgt.s32 v1, v4;
	v4 =	vld [tilespmem:$0x1FFC0];
	_ =	sdelay $0x2  }
0x5c: {  	v0 =	vsel vm0, $0x0, v0  }
0x5d: {  	v0 =	vadd.s32 v21, v0  }
0x5e: {  	v0 =	vsel vm2, v0, v4  }
0x5f: {  	[tilespmem:$0x80] =	vst v0  }
0x60: {  	v4 =	vld.idx.msk [tilespmem:v2+s5+$0x0], $0xffff;
	_ =	sdelay $0x4  }
0x61: {  	v5 =	vand.u32 $0x7, v4  }
0x62: {  	v9 =	vadd.s32 $0xFFFFFFFF, v4;
	v5 =	vadd.s32 $0x7, v5  }
0x63: {  	vm2 =	vlt.s32 v9, v5  }
0x64: {  	v5 =	vsel vm2, v9, v5  }
0x65: {  	v9 =	vadd.s32 v19, v5  }
0x66: {  	vm2 =	vlt.s32 v9, v4;
	v4 =	vadd.s32 v22, v5;
	v5 =	vld [tilespmem:$0x1FFD0];
	_ =	sdelay $0x2  }
0x67: {  	v4 =	vnsel vm2, $0x7FF, v4  }
0x68: {  	vm2 =	vgt.s32 v1, v3;
	v4 =	vadd.s32 v21, v4  }
0x69: {  	v4 =	vsel vm2, v4, v5  }
0x6a: {  	[tilespmem:$0x90] =	vst v4  }
0x6b: {  	v4 =	vld.idx.msk [tilespmem:v2+s5+$0x0], $0xffff;
	_ =	sdelay $0x4  }
0x6c: {  	v5 =	vand.u32 $0x7, v4  }
0x6d: {  	v9 =	vadd.s32 $0xFFFFFFFF, v4;
	v5 =	vadd.s32 $0x7, v5  }
0x6e: {  	vm2 =	vlt.s32 v9, v5  }
0x6f: {  	v5 =	vsel vm2, v9, v5  }
0x70: {  	v9 =	vadd.s32 v23, v5  }
0x71: {  	vm2 =	vlt.s32 v9, v4;
	v4 =	vadd.s32 v26, v5;
	v5 =	vld [tilespmem:$0x1FFE0];
	_ =	sdelay $0x2  }
0x72: {  	v4 =	vnsel vm2, $0x7FF, v4  }
0x73: {  	vm2 =	vgt.s32 v1, v6;
	v4 =	vadd.s32 v21, v4  }
0x74: {  	v4 =	vsel vm2, v4, v5  }
0x75: {  	[tilespmem:$0xA0] =	vst v4  }
0x76: {  	v4 =	vld.idx.msk [tilespmem:v2+s5+$0x0], $0xffff;
	_ =	sdelay $0x4  }
0x77: {  	v5 =	vand.u32 $0x7, v4  }
0x78: {  	v9 =	vadd.s32 $0xFFFFFFFF, v4;
	v5 =	vadd.s32 $0x7, v5  }
0x79: {  	vm2 =	vlt.s32 v9, v5  }
0x7a: {  	v5 =	vsel vm2, v9, v5  }
0x7b: {  	v9 =	vadd.s32 v24, v5  }
0x7c: {  	vm2 =	vlt.s32 v9, v4;
	v4 =	vadd.s32 v27, v5;
	v5 =	vld [tilespmem:$0x1FFF0];
	_ =	sdelay $0x2  }
0x7d: {  	v4 =	vnsel vm2, $0x7FF, v4  }
0x7e: {  	vm2 =	vgt.s32 v1, v7;
	v4 =	vadd.s32 v21, v4  }
0x7f: {  	v4 =	vsel vm2, v4, v5  }
0x80: {  	[tilespmem:$0xB0] =	vst v4  }
0x81: {  	v4 =	vld.idx.msk [tilespmem:v2+s5+$0x0], $0xffff;
	_ =	sdelay $0x4  }
0x82: {  	v5 =	vand.u32 $0x7, v4  }
0x83: {  	v9 =	vadd.s32 $0xFFFFFFFF, v4;
	v5 =	vadd.s32 $0x7, v5  }
0x84: {  	vm2 =	vlt.s32 v9, v5  }
0x85: {  	v5 =	vsel vm2, v9, v5  }
0x86: {  	v9 =	vadd.s32 v25, v5  }
0x87: {  	vm2 =	vlt.s32 v9, v4;
	v4 =	vadd.s32 v28, v5  }
0x88: {  	v4 =	vnsel vm2, $0x7FF, v4  }
0x89: {  	vm2 =	vgt.s32 v1, v8;
	v4 =	vadd.s32 v21, v4  }
0x8a: {  	v4 =	vsel vm2, v4, v11  }
0x8b: {  	[tilespmem:$0x100] =	vst v4  }
0x8c: {  	v4 =	vld.idx.msk [tilespmem:v2+s5+$0x0], $0xffff;
	_ =	sdelay $0x4  }
0x8d: {  	v5 =	vand.u32 $0x7, v4  }
0x8e: {  	v9 =	vadd.s32 $0xFFFFFFFF, v4;
	v5 =	vadd.s32 $0x7, v5  }
0x8f: {  	vm2 =	vlt.s32 v9, v5  }
0x90: {  	v5 =	vsel vm2, v9, v5  }
0x91: {  	v9 =	vadd.s32 v29, v5  }
0x92: {  	vm2 =	vlt.s32 v9, v4;
	v4 =	vadd.s32 v32, v5  }
0x93: {  	v4 =	vnsel vm2, $0x7FF, v4  }
0x94: {  	vm2 =	vgt.s32 v1, v12;
	v4 =	vadd.s32 v21, v4  }
0x95: {  	v4 =	vsel vm2, v4, v15  }
0x96: {  	[tilespmem:$0x110] =	vst v4  }
0x97: {  	v4 =	vld.idx.msk [tilespmem:v2+s5+$0x0], $0xffff;
	_ =	sdelay $0x4  }
0x98: {  	v5 =	vand.u32 $0x7, v4  }
0x99: {  	v9 =	vadd.s32 $0xFFFFFFFF, v4;
	v5 =	vadd.s32 $0x7, v5  }
0x9a: {  	vm2 =	vlt.s32 v9, v5  }
0x9b: {  	v5 =	vsel vm2, v9, v5  }
0x9c: {  	v9 =	vadd.s32 v30, v5  }
0x9d: {  	vm2 =	vlt.s32 v9, v4;
	v4 =	vadd.s32 v33, v5  }
0x9e: {  	v4 =	vnsel vm2, $0x7FF, v4  }
0x9f: {  	vm2 =	vgt.s32 v1, v13;
	v4 =	vadd.s32 v21, v4  }
0xa0: {  	v4 =	vsel vm2, v4, v16  }
0xa1: {  	[tilespmem:$0x120] =	vst v4  }
0xa2: {  	v4 =	vld.idx.msk [tilespmem:v2+s5+$0x0], $0xffff;
	_ =	sdelay $0x4  }
0xa3: {  	v10 =	vshll.u32 v0, $0x2;
	v0 =	vand.u32 $0x7, v0;
	v9 =	vand.u32 $0x7, v4  }
0xa4: {  	v10 =	vand.u32 $0xFFFFFFE0, v10;
	v5 =	vadd.s32 $0xFFFFFFFF, v4;
	v9 =	vadd.s32 $0x7, v9  }
0xa5: {  	v0 =	vor.u32 v0, v10;
	vm2 =	vlt.s32 v5, v9  }
0xa6: {  	v5 =	vsel vm2, v5, v9;
	v9 =	vperm.xlane v0, v35  }
0xa7: {  	v10 =	vadd.s32 v31, v5  }
0xa8: {  	vm2 =	vlt.s32 v10, v4;
	v4 =	vadd.s32 v34, v5;
	v5 =	vadd.s32 v36, v9  }
0xa9: {  	v4 =	vnsel vm2, $0x7FF, v4  }
0xaa: {  	v0 =	vperm.xlane v0, v37;
	vm2 =	vgt.s32 v1, v14;
	v4 =	vadd.s32 v21, v4  }
0xab: {  	v1 =	vsel vm2, v4, v17  }
0xac: {  	v0 =	vadd.s32 v36, v0;
	[tilespmem:$0x130] =	vst v1  }
0xad: {  	[tilespmem:s15], [sflag:$0x1] =	stream.indirect_vreg.gather [hbm4b:s1+s5], $0x80, v5, vm1, $0xb8;
	[tilespmem:$0x10400] =	vst v63  }
0xae: {  	s16 =	simm.s32 $0x980  }
0xaf: {  	[tilespmem:s16], [sflag:$0x1] =	stream.indirect_vreg.gather [hbm4b:s8+s5], $0x80, v5, vm1, $0xb8;
	[tilespmem:$0x10400] =	vst v63  }
0xb0: {  	s4 =	simm.s32 $0x1180  }
0xb1: {  	[tilespmem:s4], [sflag:$0x1] =	stream.indirect_vreg.gather [hbm4b:s1+s5], $0x80, v0, vm1, $0xb8;
	[tilespmem:$0x10400] =	vst v63  }
0xb2: {  	s12 =	simm.s32 $0x1980  }
0xb3: {  	[tilespmem:s12], [sflag:$0x1] =	stream.indirect_vreg.gather [hbm4b:s8+s5], $0x80, v0, vm1, $0xb8;
	[tilespmem:$0x10400] =	vst v63  }
0xb4: {  	v0 =	vld [tilespmem:$0x90];
	_ =	sdelay $0x4  }
0xb5: {  	v1 =	vshll.u32 v0, $0x2  }
0xb6: {  	v0 =	vand.u32 $0x7, v0;
	v1 =	vand.u32 $0xFFFFFFE0, v1  }
0xb7: {  	v0 =	vor.u32 v0, v1  }
0xb8: {  	v1 =	vperm.xlane v0, v35;
	_ =	sdelay $0x1  }
0xb9: {  	v1 =	vadd.s32 v36, v1;
	_ =	sdelay $0x1  }
0xba: {  	v0 =	vperm.xlane v0, v37;
	_ =	sdelay $0x1  }
0xbb: {  	s13 =	simm.s32 $0x2180;
	v0 =	vadd.s32 v36, v0  }
0xbc: {  	[tilespmem:s13], [sflag:$0x1] =	stream.indirect_vreg.gather [hbm4b:s1+s5], $0x80, v1, vm1, $0xb8;
	[tilespmem:$0x10400] =	vst v63  }
0xbd: {  	s14 =	simm.s32 $0x2980  }
0xbe: {  	[tilespmem:s14], [sflag:$0x1] =	stream.indirect_vreg.gather [hbm4b:s8+s5], $0x80, v1, vm1, $0xb8;
	[tilespmem:$0x10400] =	vst v63  }
0xbf: {  	s16 =	simm.s32 $0x3180  }
0xc0: {  	[tilespmem:s16], [sflag:$0x1] =	stream.indirect_vreg.gather [hbm4b:s1+s5], $0x80, v0, vm1, $0xb8;
	[tilespmem:$0x10400] =	vst v63  }
0xc1: {  	s4 =	simm.s32 $0x3980  }
0xc2: {  	[tilespmem:s4], [sflag:$0x1] =	stream.indirect_vreg.gather [hbm4b:s8+s5], $0x80, v0, vm1, $0xb8;
	[tilespmem:$0x10400] =	vst v63  }
0xc3: {  	v0 =	vld [tilespmem:$0xA0];
	_ =	sdelay $0x4  }
0xc4: {  	v1 =	vshll.u32 v0, $0x2  }
0xc5: {  	v0 =	vand.u32 $0x7, v0;
	v1 =	vand.u32 $0xFFFFFFE0, v1  }
0xc6: {  	v0 =	vor.u32 v0, v1  }
0xc7: {  	v1 =	vperm.xlane v0, v35;
	_ =	sdelay $0x1  }
0xc8: {  	v1 =	vadd.s32 v36, v1;
	_ =	sdelay $0x1  }
0xc9: {  	v0 =	vperm.xlane v0, v37;
	_ =	sdelay $0x1  }
0xca: {  	s12 =	simm.s32 $0x4180;
	v0 =	vadd.s32 v36, v0  }
0xcb: {  	[tilespmem:s12], [sflag:$0x1] =	stream.indirect_vreg.gather [hbm4b:s1+s5], $0x80, v1, vm1, $0xb8;
	[tilespmem:$0x10400] =	vst v63  }
0xcc: {  	s13 =	simm.s32 $0x4980  }
0xcd: {  	[tilespmem:s13], [sflag:$0x1] =	stream.indirect_vreg.gather [hbm4b:s8+s5], $0x80, v1, vm1, $0xb8;
	[tilespmem:$0x10400] =	vst v63  }
0xce: {  	s14 =	simm.s32 $0x5180  }
0xcf: {  	[tilespmem:s14], [sflag:$0x1] =	stream.indirect_vreg.gather [hbm4b:s1+s5], $0x80, v0, vm1, $0xb8;
	[tilespmem:$0x10400] =	vst v63  }
0xd0: {  	s16 =	simm.s32 $0x5980  }
0xd1: {  	[tilespmem:s16], [sflag:$0x1] =	stream.indirect_vreg.gather [hbm4b:s8+s5], $0x80, v0, vm1, $0xb8;
	[tilespmem:$0x10400] =	vst v63  }
0xd2: {  	v0 =	vld [tilespmem:$0xB0];
	_ =	sdelay $0x4  }
0xd3: {  	v1 =	vshll.u32 v0, $0x2  }
0xd4: {  	v0 =	vand.u32 $0x7, v0;
	v1 =	vand.u32 $0xFFFFFFE0, v1  }
0xd5: {  	v0 =	vor.u32 v0, v1  }
0xd6: {  	v1 =	vperm.xlane v0, v35;
	_ =	sdelay $0x1  }
0xd7: {  	v1 =	vadd.s32 v36, v1;
	_ =	sdelay $0x1  }
0xd8: {  	v0 =	vperm.xlane v0, v37;
	_ =	sdelay $0x1  }
0xd9: {  	s4 =	simm.s32 $0x6180;
	v0 =	vadd.s32 v36, v0  }
0xda: {  	[tilespmem:s4], [sflag:$0x1] =	stream.indirect_vreg.gather [hbm4b:s1+s5], $0x80, v1, vm1, $0xb8;
	[tilespmem:$0x10400] =	vst v63  }
0xdb: {  	s12 =	simm.s32 $0x6980  }
0xdc: {  	[tilespmem:s12], [sflag:$0x1] =	stream.indirect_vreg.gather [hbm4b:s8+s5], $0x80, v1, vm1, $0xb8;
	[tilespmem:$0x10400] =	vst v63  }
0xdd: {  	s13 =	simm.s32 $0x7180  }
0xde: {  	[tilespmem:s13], [sflag:$0x1] =	stream.indirect_vreg.gather [hbm4b:s1+s5], $0x80, v0, vm1, $0xb8;
	[tilespmem:$0x10400] =	vst v63  }
0xdf: {  	s14 =	simm.s32 $0x7980  }
0xe0: {  	[tilespmem:s14], [sflag:$0x1] =	stream.indirect_vreg.gather [hbm4b:s8+s5], $0x80, v0, vm1, $0xb8;
	[tilespmem:$0x10400] =	vst v63  }
0xe1: {  	v0 =	vld [tilespmem:$0x100];
	_ =	sdelay $0x4  }
0xe2: {  	v1 =	vshll.u32 v0, $0x2  }
0xe3: {  	v0 =	vand.u32 $0x7, v0;
	v1 =	vand.u32 $0xFFFFFFE0, v1  }
0xe4: {  	v0 =	vor.u32 v0, v1  }
0xe5: {  	v1 =	vperm.xlane v0, v35;
	_ =	sdelay $0x1  }
0xe6: {  	v1 =	vadd.s32 v36, v1;
	_ =	sdelay $0x1  }
0xe7: {  	v0 =	vperm.xlane v0, v37;
	_ =	sdelay $0x1  }
0xe8: {  	v0 =	vadd.s32 v36, v0  }
0xe9: {  	[tilespmem:s3], [sflag:$0x2] =	stream.indirect_vreg.gather [hbm4b:s1+s5], $0x80, v1, vm1, $0xb8;
	[tilespmem:$0x10400] =	vst v63  }
0xea: {  	s16 =	simm.s32 $0x8980  }
0xeb: {  	[tilespmem:s16], [sflag:$0x2] =	stream.indirect_vreg.gather [hbm4b:s8+s5], $0x80, v1, vm1, $0xb8;
	[tilespmem:$0x10400] =	vst v63  }
0xec: {  	s4 =	simm.s32 $0x9180  }
0xed: {  	[tilespmem:s4], [sflag:$0x2] =	stream.indirect_vreg.gather [hbm4b:s1+s5], $0x80, v0, vm1, $0xb8;
	[tilespmem:$0x10400] =	vst v63  }
0xee: {  	s12 =	simm.s32 $0x9980  }
0xef: {  	[tilespmem:s12], [sflag:$0x2] =	stream.indirect_vreg.gather [hbm4b:s8+s5], $0x80, v0, vm1, $0xb8;
	[tilespmem:$0x10400] =	vst v63  }
0xf0: {  	v0 =	vld [tilespmem:$0x110];
	_ =	sdelay $0x4  }
0xf1: {  	v1 =	vshll.u32 v0, $0x2  }
0xf2: {  	v0 =	vand.u32 $0x7, v0;
	v1 =	vand.u32 $0xFFFFFFE0, v1  }
0xf3: {  	v0 =	vor.u32 v0, v1  }
0xf4: {  	v1 =	vperm.xlane v0, v35;
	_ =	sdelay $0x1  }
0xf5: {  	v1 =	vadd.s32 v36, v1;
	_ =	sdelay $0x1  }
0xf6: {  	v0 =	vperm.xlane v0, v37;
	_ =	sdelay $0x1  }
0xf7: {  	s13 =	simm.s32 $0xA180;
	v0 =	vadd.s32 v36, v0  }
0xf8: {  	[tilespmem:s13], [sflag:$0x2] =	stream.indirect_vreg.gather [hbm4b:s1+s5], $0x80, v1, vm1, $0xb8;
	[tilespmem:$0x10400] =	vst v63  }
0xf9: {  	s14 =	simm.s32 $0xA980  }
0xfa: {  	[tilespmem:s14], [sflag:$0x2] =	stream.indirect_vreg.gather [hbm4b:s8+s5], $0x80, v1, vm1, $0xb8;
	[tilespmem:$0x10400] =	vst v63  }
0xfb: {  	s16 =	simm.s32 $0xB180  }
0xfc: {  	[tilespmem:s16], [sflag:$0x2] =	stream.indirect_vreg.gather [hbm4b:s1+s5], $0x80, v0, vm1, $0xb8;
	[tilespmem:$0x10400] =	vst v63  }
0xfd: {  	s4 =	simm.s32 $0xB980  }
0xfe: {  	[tilespmem:s4], [sflag:$0x2] =	stream.indirect_vreg.gather [hbm4b:s8+s5], $0x80, v0, vm1, $0xb8;
	[tilespmem:$0x10400] =	vst v63  }
0xff: {  	v0 =	vld [tilespmem:$0x120];
	_ =	sdelay $0x4  }
0x100: {  	v1 =	vshll.u32 v0, $0x2  }
0x101: {  	v0 =	vand.u32 $0x7, v0;
	v1 =	vand.u32 $0xFFFFFFE0, v1  }
0x102: {  	v0 =	vor.u32 v0, v1  }
0x103: {  	v1 =	vperm.xlane v0, v35;
	_ =	sdelay $0x1  }
0x104: {  	v1 =	vadd.s32 v36, v1;
	_ =	sdelay $0x1  }
0x105: {  	v0 =	vperm.xlane v0, v37;
	_ =	sdelay $0x1  }
0x106: {  	s12 =	simm.s32 $0xC180;
	v0 =	vadd.s32 v36, v0  }
0x107: {  	[tilespmem:s12], [sflag:$0x2] =	stream.indirect_vreg.gather [hbm4b:s1+s5], $0x80, v1, vm1, $0xb8;
	[tilespmem:$0x10400] =	vst v63  }
0x108: {  	s13 =	simm.s32 $0xC980  }
0x109: {  	[tilespmem:s13], [sflag:$0x2] =	stream.indirect_vreg.gather [hbm4b:s8+s5], $0x80, v1, vm1, $0xb8;
	[tilespmem:$0x10400] =	vst v63  }
0x10a: {  	s14 =	simm.s32 $0xD180  }
0x10b: {  	[tilespmem:s14], [sflag:$0x2] =	stream.indirect_vreg.gather [hbm4b:s1+s5], $0x80, v0, vm1, $0xb8;
	[tilespmem:$0x10400] =	vst v63  }
0x10c: {  	s16 =	simm.s32 $0xD980  }
0x10d: {  	[tilespmem:s16], [sflag:$0x2] =	stream.indirect_vreg.gather [hbm4b:s8+s5], $0x80, v0, vm1, $0xb8;
	[tilespmem:$0x10400] =	vst v63  }
0x10e: {  	v0 =	vld [tilespmem:$0x130];
	_ =	sdelay $0x4  }
0x10f: {  	v1 =	vshll.u32 v0, $0x2  }
0x110: {  	v0 =	vand.u32 $0x7, v0;
	v1 =	vand.u32 $0xFFFFFFE0, v1  }
0x111: {  	v0 =	vor.u32 v0, v1  }
0x112: {  	v1 =	vperm.xlane v0, v35;
	_ =	sdelay $0x1  }
0x113: {  	v1 =	vadd.s32 v36, v1;
	_ =	sdelay $0x1  }
0x114: {  	v0 =	vperm.xlane v0, v37;
	_ =	sdelay $0x1  }
0x115: {  	v0 =	vadd.s32 v36, v0  }
0x116: {  	[tilespmem:s21], [sflag:$0x2] =	stream.indirect_vreg.gather [hbm4b:s1+s5], $0x80, v1, vm1, $0xb8;
	[tilespmem:$0x10400] =	vst v63  }
0x117: {  	_ = 	snop  }
0x118: {  	[tilespmem:s22], [sflag:$0x2] =	stream.indirect_vreg.gather [hbm4b:s8+s5], $0x80, v1, vm1, $0xb8;
	[tilespmem:$0x10400] =	vst v63  }
0x119: {  	_ = 	snop  }
0x11a: {  	[tilespmem:s23], [sflag:$0x2] =	stream.indirect_vreg.gather [hbm4b:s1+s5], $0x80, v0, vm1, $0xb8;
	[tilespmem:$0x10400] =	vst v63  }
0x11b: {  	_ = 	snop  }
0x11c: {  	[tilespmem:s24], [sflag:$0x2] =	stream.indirect_vreg.gather [hbm4b:s8+s5], $0x80, v0, vm1, $0xb8;
	[tilespmem:$0x10400] =	vst v63  }
0x11d: {  	_ =	swait.ge [sflag:s25], $0x200  }
0x11e: {  	[sflag:s25] =	ssyncset.done $0x0  }
0x11f: {  	[sflag:s25] =	ssyncadd.s32 $0xFFFFFE00  }
0x120: {  	v38 =	vld [tilespmem:$0x10180]  }
0x121: {  	v39 =	vld [tilespmem:$0x10190]  }
0x122: {  	v40 =	vld [tilespmem:$0x101A0]  }
0x123: {  	v41 =	vld [tilespmem:$0x101B0]  }
0x124: {  	v42 =	vld [tilespmem:$0x101C0]  }
0x125: {  	v43 =	vld [tilespmem:$0x101D0]  }
0x126: {  	v44 =	vld [tilespmem:$0x101E0]  }
0x127: {  	v45 =	vld [tilespmem:$0x101F0]  }
0x128: {  	v46 =	vld [tilespmem:$0x10200]  }
0x129: {  	v47 =	vld [tilespmem:$0x10210]  }
0x12a: {  	v48 =	vld [tilespmem:$0x10220]  }
0x12b: {  	v49 =	vld [tilespmem:$0x10230]  }
0x12c: {  	v50 =	vld [tilespmem:$0x10240]  }
0x12d: {  	v51 =	vld [tilespmem:$0x10250]  }
0x12e: {  	v52 =	vld [tilespmem:$0x10260]  }
0x12f: {  	v53 =	vld [tilespmem:$0x10270]  }
0x130: {  	v54 =	vld [tilespmem:$0x10280]  }
0x131: {  	v55 =	vld [tilespmem:$0x10290]  }
0x132: {  	v56 =	vld [tilespmem:$0x102A0]  }
0x133: {  	v57 =	vld [tilespmem:$0x102B0]  }
0x134: {  	v58 =	vld [tilespmem:$0x102C0]  }
0x135: {  	v59 =	vld [tilespmem:$0x102D0]  }
0x136: {  	v60 =	vld [tilespmem:$0x102E0]  }
0x137: {  	v61 =	vld [tilespmem:$0x102F0]  }
0x138: {  	v62 =	vld [tilespmem:$0x10300]  }
0x139: {  	v63 =	vld [tilespmem:$0x10310]  }
0x13a: {  	v0 =	vld [tilespmem:$0x10320]  }
0x13b: {  	v1 =	vld [tilespmem:$0x10330]  }
0x13c: {  	p2 =	sgt.u32 s0, $0x3F;
	v4 =	vld [tilespmem:$0x10340]  }
.Ltmp2:
0x13d: {  	v9 =	vld [tilespmem:$0x10360];
	(pc) =	sbr.rel @p2 .LBB2_7-.Ltmp2, $4  }
0x13e: {  	v10 =	vld [tilespmem:$0x10370]  }
0x13f: {  	v5 =	vld [tilespmem:$0x10350];
	_ =	swait.ge [sflag:s26], $0x8000  }
0x140: {  	[sflag:s26] =	ssyncset.done $0x0  }
0x141: {  	s2 =	sshll.u32 s0, $0x7;
	s4 =	sshll.u32 s0, $0x9;
	[sflag:s26] =	ssyncadd.s32 $0xFFFF8000  }
0x142: {  	s12 =	ssub.s32 $0x40, s0  }
0x143: {  	p3 =	sne.s32 s12, $0x1  }
.Ltmp3:
0x144: {  	_ = 	snop;
	(pc) =	sbr.rel @!p3 .LBB2_3-.Ltmp3, $3  }
0x145: {  	_ =	sdelay $0x1  }
0x146: {  	s20 =	smov.u32 s18;
	s19 =	smov.u32 s17;
	s17 =	sand.u32 $0x7000, s4  }
0x147: {  	s18 =	sand.u32 $0x380, s2;
	p2 =	por $0x0, $0x0;
	s16 =	sadd.s32 $0xFFFFFFFF, s12  }
0x148: {  	s12 =	sor.u32 s18, s17  }
0x149: {  	[tilespmem:s12+$0xDF0] =	vst v10  }
0x14a: {  	[tilespmem:s12+$0x180] =	vst v38  }
0x14b: {  	[tilespmem:s12+$0x190] =	vst v39  }
0x14c: {  	[tilespmem:s12+$0x1A0] =	vst v40  }
0x14d: {  	[tilespmem:s12+$0x1B0] =	vst v41  }
0x14e: {  	[tilespmem:s12+$0x1C0] =	vst v42  }
0x14f: {  	[tilespmem:s12+$0x1D0] =	vst v43  }
0x150: {  	[tilespmem:s12+$0x1E0] =	vst v44  }
0x151: {  	[tilespmem:s12+$0x1F0] =	vst v45  }
0x152: {  	[tilespmem:s12+$0x580] =	vst v46  }
0x153: {  	[tilespmem:s12+$0x590] =	vst v47  }
0x154: {  	[tilespmem:s12+$0x5A0] =	vst v48  }
0x155: {  	[tilespmem:s12+$0x5B0] =	vst v49  }
0x156: {  	[tilespmem:s12+$0x5C0] =	vst v50  }
0x157: {  	[tilespmem:s12+$0x5D0] =	vst v51  }
0x158: {  	[tilespmem:s12+$0x5E0] =	vst v52  }
0x159: {  	[tilespmem:s12+$0x5F0] =	vst v53  }
0x15a: {  	[tilespmem:s12+$0x980] =	vst v54  }
0x15b: {  	[tilespmem:s12+$0x990] =	vst v55  }
0x15c: {  	[tilespmem:s12+$0x9A0] =	vst v56  }
0x15d: {  	[tilespmem:s12+$0x9B0] =	vst v57  }
0x15e: {  	[tilespmem:s12+$0x9C0] =	vst v58  }
0x15f: {  	[tilespmem:s12+$0x9D0] =	vst v59  }
0x160: {  	[tilespmem:s12+$0x9E0] =	vst v60  }
0x161: {  	[tilespmem:s12+$0x9F0] =	vst v61  }
0x162: {  	p3 =	sne.s32 s16, $0x1;
	[tilespmem:s12+$0xD80] =	vst v62  }
.Ltmp4:
0x163: {  	[tilespmem:s12+$0xD90] =	vst v63;
	(pc) =	sbr.rel @!p3 .LBB2_6-.Ltmp4, $4  }
0x164: {  	[tilespmem:s12+$0xDA0] =	vst v0  }
0x165: {  	[tilespmem:s12+$0xDB0] =	vst v1  }
0x166: {  	s13 =	sadd.s32 $0x200, s4;
	s14 =	sadd.s32 $0x80, s2;
	s16 =	sadd.s32 $0xFFFFFFFF, s16;
	[tilespmem:s12+$0xDC0] =	vst v4  }
0x167: {  	p2 =	por $0x1, $0x1;
	s17 =	sand.u32 $0x7000, s13;
	s18 =	sand.u32 $0x380, s14;
	[tilespmem:s12+$0xDD0] =	vst v5  }
.LBB2_5:
0x168: {  	p3 =	sne.s32 s16, $0x1;
	[tilespmem:s12+$0xDE0] =	vst v9;
	s12 =	sor.u32 s18, s17  }
0x169: {  	[tilespmem:s12+$0xDF0] =	vst v10  }
0x16a: {  	[tilespmem:s12+$0x180] =	vst v38  }
0x16b: {  	[tilespmem:s12+$0x190] =	vst v39  }
0x16c: {  	[tilespmem:s12+$0x1A0] =	vst v40  }
0x16d: {  	[tilespmem:s12+$0x1B0] =	vst v41  }
0x16e: {  	[tilespmem:s12+$0x1C0] =	vst v42  }
0x16f: {  	[tilespmem:s12+$0x1D0] =	vst v43  }
0x170: {  	[tilespmem:s12+$0x1E0] =	vst v44  }
0x171: {  	[tilespmem:s12+$0x1F0] =	vst v45  }
0x172: {  	[tilespmem:s12+$0x580] =	vst v46  }
0x173: {  	[tilespmem:s12+$0x590] =	vst v47  }
0x174: {  	[tilespmem:s12+$0x5A0] =	vst v48  }
0x175: {  	[tilespmem:s12+$0x5B0] =	vst v49  }
0x176: {  	[tilespmem:s12+$0x5C0] =	vst v50  }
0x177: {  	[tilespmem:s12+$0x5D0] =	vst v51  }
0x178: {  	[tilespmem:s12+$0x5E0] =	vst v52  }
0x179: {  	[tilespmem:s12+$0x5F0] =	vst v53  }
0x17a: {  	[tilespmem:s12+$0x980] =	vst v54  }
0x17b: {  	[tilespmem:s12+$0x990] =	vst v55  }
0x17c: {  	[tilespmem:s12+$0x9A0] =	vst v56  }
0x17d: {  	[tilespmem:s12+$0x9B0] =	vst v57  }
0x17e: {  	[tilespmem:s12+$0x9C0] =	vst v58  }
0x17f: {  	[tilespmem:s12+$0x9D0] =	vst v59  }
0x180: {  	[tilespmem:s12+$0x9E0] =	vst v60  }
0x181: {  	[tilespmem:s12+$0x9F0] =	vst v61  }
0x182: {  	[tilespmem:s12+$0xD80] =	vst v62  }
.Ltmp5:
0x183: {  	[tilespmem:s12+$0xD90] =	vst v63;
	(pc) =	sbr.rel @p3 .LBB2_5-.Ltmp5, $4  }
0x184: {  	[tilespmem:s12+$0xDA0] =	vst v0  }
0x185: {  	[tilespmem:s12+$0xDB0] =	vst v1  }
0x186: {  	s14 =	sadd.s32 $0x80, s14;
	s13 =	sadd.s32 $0x200, s13;
	[tilespmem:s12+$0xDC0] =	vst v4  }
0x187: {  	s16 =	sadd.s32 $0xFFFFFFFF, s16;
	s17 =	sand.u32 $0x7000, s13;
	s18 =	sand.u32 $0x380, s14;
	[tilespmem:s12+$0xDD0] =	vst v5  }
.LBB2_6:
0x188: {  	s13 =	sor.u32 s18, s17;
	[tilespmem:s12+$0xDE0] =	vst @p2 v9  }
0x189: {  	[tilespmem:s13+$0xDF0] =	vst v10  }
0x18a: {  	[tilespmem:s13+$0x180] =	vst v38  }
0x18b: {  	[tilespmem:s13+$0x190] =	vst v39  }
0x18c: {  	[tilespmem:s13+$0x1A0] =	vst v40  }
0x18d: {  	[tilespmem:s13+$0x1B0] =	vst v41  }
0x18e: {  	[tilespmem:s13+$0x1C0] =	vst v42  }
0x18f: {  	[tilespmem:s13+$0x1D0] =	vst v43  }
0x190: {  	[tilespmem:s13+$0x1E0] =	vst v44  }
0x191: {  	[tilespmem:s13+$0x1F0] =	vst v45  }
0x192: {  	[tilespmem:s13+$0x580] =	vst v46  }
0x193: {  	[tilespmem:s13+$0x590] =	vst v47  }
0x194: {  	[tilespmem:s13+$0x5A0] =	vst v48  }
0x195: {  	[tilespmem:s13+$0x5B0] =	vst v49  }
0x196: {  	[tilespmem:s13+$0x5C0] =	vst v50  }
0x197: {  	[tilespmem:s13+$0x5D0] =	vst v51  }
0x198: {  	[tilespmem:s13+$0x5E0] =	vst v52  }
0x199: {  	[tilespmem:s13+$0x5F0] =	vst v53  }
0x19a: {  	[tilespmem:s13+$0x980] =	vst v54  }
0x19b: {  	[tilespmem:s13+$0x990] =	vst v55  }
0x19c: {  	[tilespmem:s13+$0x9A0] =	vst v56  }
0x19d: {  	[tilespmem:s13+$0x9B0] =	vst v57  }
0x19e: {  	[tilespmem:s13+$0x9C0] =	vst v58  }
0x19f: {  	[tilespmem:s13+$0x9D0] =	vst v59  }
0x1a0: {  	[tilespmem:s13+$0x9E0] =	vst v60  }
0x1a1: {  	[tilespmem:s13+$0x9F0] =	vst v61  }
0x1a2: {  	[tilespmem:s13+$0xD80] =	vst v62  }
0x1a3: {  	[tilespmem:s13+$0xD90] =	vst v63  }
0x1a4: {  	[tilespmem:s13+$0xDA0] =	vst v0  }
0x1a5: {  	[tilespmem:s13+$0xDB0] =	vst v1  }
0x1a6: {  	[tilespmem:s13+$0xDC0] =	vst v4  }
0x1a7: {  	s17 =	smov.u32 s19;
	[tilespmem:s13+$0xDD0] =	vst v5  }
0x1a8: {  	s18 =	smov.u32 s20;
	s19 =	simm.s32 $0x80;
	s20 =	simm.s32 $0x400;
	[tilespmem:s13+$0xDE0] =	vst v9  }
.LBB2_7:
0x1a9: {  	p2 =	sgt.u32 s0, $0x7F  }
.Ltmp6:
0x1aa: {  	_ = 	snop;
	(pc) =	sbr.rel @p2 .LBB2_13-.Ltmp6, $4  }
0x1ab: {  	[hbm4b:s7+s5] =	stream.linear.scatter [tilespmem:s15], [sflag:$0x4], $0x8000, $0x38;
	[tilespmem:$0x10400] =	vst v63  }
0x1ac: {  	_ =	swait.ge [sflag:s28], $0x8000  }
0x1ad: {  	[sflag:s28] =	ssyncset.done $0x0  }
0x1ae: {  	[sflag:s28] =	ssyncadd.s32 $0xFFFF8000  }
0x1af: {  	s12 =	smin.u32 s0, $0x40  }
0x1b0: {  	s0 =	ssub.s32 s12, s0  }
0x1b1: {  	s0 =	sadd.s32 $0x40, s0  }
0x1b2: {  	p3 =	sne.s32 s0, $0x1  }
.Ltmp7:
0x1b3: {  	_ = 	snop;
	(pc) =	sbr.rel @!p3 .LBB2_9-.Ltmp7, $4  }
0x1b4: {  	_ = 	snop  }
0x1b5: {  	s13 =	sshll.u32 s12, $0x9;
	s12 =	sshll.u32 s12, $0x7  }
0x1b6: {  	p2 =	por $0x0, $0x0;
	s13 =	ssub.s32 s4, s13;
	s4 =	ssub.s32 s2, s12  }
0x1b7: {  	s14 =	sand.u32 $0x7FFFF000, s13;
	s16 =	sand.u32 $0x380, s4;
	s12 =	sadd.s32 $0xFFFFFFFF, s0  }
0x1b8: {  	s0 =	sor.u32 s16, s14  }
0x1b9: {  	[tilespmem:s0+$0x8DF0] =	vst v10  }
0x1ba: {  	[tilespmem:s0+$0x8180] =	vst v38  }
0x1bb: {  	[tilespmem:s0+$0x8190] =	vst v39  }
0x1bc: {  	[tilespmem:s0+$0x81A0] =	vst v40  }
0x1bd: {  	[tilespmem:s0+$0x81B0] =	vst v41  }
0x1be: {  	[tilespmem:s0+$0x81C0] =	vst v42  }
0x1bf: {  	[tilespmem:s0+$0x81D0] =	vst v43  }
0x1c0: {  	[tilespmem:s0+$0x81E0] =	vst v44  }
0x1c1: {  	[tilespmem:s0+$0x81F0] =	vst v45  }
0x1c2: {  	[tilespmem:s0+$0x8580] =	vst v46  }
0x1c3: {  	[tilespmem:s0+$0x8590] =	vst v47  }
0x1c4: {  	[tilespmem:s0+$0x85A0] =	vst v48  }
0x1c5: {  	[tilespmem:s0+$0x85B0] =	vst v49  }
0x1c6: {  	[tilespmem:s0+$0x85C0] =	vst v50  }
0x1c7: {  	[tilespmem:s0+$0x85D0] =	vst v51  }
0x1c8: {  	[tilespmem:s0+$0x85E0] =	vst v52  }
0x1c9: {  	[tilespmem:s0+$0x85F0] =	vst v53  }
0x1ca: {  	[tilespmem:s0+$0x8980] =	vst v54  }
0x1cb: {  	[tilespmem:s0+$0x8990] =	vst v55  }
0x1cc: {  	[tilespmem:s0+$0x89A0] =	vst v56  }
0x1cd: {  	[tilespmem:s0+$0x89B0] =	vst v57  }
0x1ce: {  	[tilespmem:s0+$0x89C0] =	vst v58  }
0x1cf: {  	[tilespmem:s0+$0x89D0] =	vst v59  }
0x1d0: {  	[tilespmem:s0+$0x89E0] =	vst v60  }
0x1d1: {  	[tilespmem:s0+$0x89F0] =	vst v61  }
0x1d2: {  	p3 =	sne.s32 s12, $0x1;
	[tilespmem:s0+$0x8D80] =	vst v62  }
.Ltmp8:
0x1d3: {  	[tilespmem:s0+$0x8D90] =	vst v63;
	(pc) =	sbr.rel @!p3 .LBB2_12-.Ltmp8, $4  }
0x1d4: {  	[tilespmem:s0+$0x8DA0] =	vst v0  }
0x1d5: {  	[tilespmem:s0+$0x8DB0] =	vst v1  }
0x1d6: {  	s2 =	sadd.s32 $0x200, s13;
	s4 =	sadd.s32 $0x80, s4;
	s12 =	sadd.s32 $0xFFFFFFFF, s12;
	[tilespmem:s0+$0x8DC0] =	vst v4  }
0x1d7: {  	p2 =	por $0x1, $0x1;
	s14 =	sand.u32 $0x7FFFF000, s2;
	s16 =	sand.u32 $0x380, s4;
	[tilespmem:s0+$0x8DD0] =	vst v5  }
.LBB2_11:
0x1d8: {  	p3 =	sne.s32 s12, $0x1;
	[tilespmem:s0+$0x8DE0] =	vst v9;
	s0 =	sor.u32 s16, s14  }
0x1d9: {  	[tilespmem:s0+$0x8DF0] =	vst v10  }
0x1da: {  	[tilespmem:s0+$0x8180] =	vst v38  }
0x1db: {  	[tilespmem:s0+$0x8190] =	vst v39  }
0x1dc: {  	[tilespmem:s0+$0x81A0] =	vst v40  }
0x1dd: {  	[tilespmem:s0+$0x81B0] =	vst v41  }
0x1de: {  	[tilespmem:s0+$0x81C0] =	vst v42  }
0x1df: {  	[tilespmem:s0+$0x81D0] =	vst v43  }
0x1e0: {  	[tilespmem:s0+$0x81E0] =	vst v44  }
0x1e1: {  	[tilespmem:s0+$0x81F0] =	vst v45  }
0x1e2: {  	[tilespmem:s0+$0x8580] =	vst v46  }
0x1e3: {  	[tilespmem:s0+$0x8590] =	vst v47  }
0x1e4: {  	[tilespmem:s0+$0x85A0] =	vst v48  }
0x1e5: {  	[tilespmem:s0+$0x85B0] =	vst v49  }
0x1e6: {  	[tilespmem:s0+$0x85C0] =	vst v50  }
0x1e7: {  	[tilespmem:s0+$0x85D0] =	vst v51  }
0x1e8: {  	[tilespmem:s0+$0x85E0] =	vst v52  }
0x1e9: {  	[tilespmem:s0+$0x85F0] =	vst v53  }
0x1ea: {  	[tilespmem:s0+$0x8980] =	vst v54  }
0x1eb: {  	[tilespmem:s0+$0x8990] =	vst v55  }
0x1ec: {  	[tilespmem:s0+$0x89A0] =	vst v56  }
0x1ed: {  	[tilespmem:s0+$0x89B0] =	vst v57  }
0x1ee: {  	[tilespmem:s0+$0x89C0] =	vst v58  }
0x1ef: {  	[tilespmem:s0+$0x89D0] =	vst v59  }
0x1f0: {  	[tilespmem:s0+$0x89E0] =	vst v60  }
0x1f1: {  	[tilespmem:s0+$0x89F0] =	vst v61  }
0x1f2: {  	[tilespmem:s0+$0x8D80] =	vst v62  }
.Ltmp9:
0x1f3: {  	[tilespmem:s0+$0x8D90] =	vst v63;
	(pc) =	sbr.rel @p3 .LBB2_11-.Ltmp9, $4  }
0x1f4: {  	[tilespmem:s0+$0x8DA0] =	vst v0  }
0x1f5: {  	[tilespmem:s0+$0x8DB0] =	vst v1  }
0x1f6: {  	s4 =	sadd.s32 $0x80, s4;
	s2 =	sadd.s32 $0x200, s2;
	[tilespmem:s0+$0x8DC0] =	vst v4  }
0x1f7: {  	s12 =	sadd.s32 $0xFFFFFFFF, s12;
	s14 =	sand.u32 $0x7FFFF000, s2;
	s16 =	sand.u32 $0x380, s4;
	[tilespmem:s0+$0x8DD0] =	vst v5  }
.Ltmp10:
0x1f8: {  	_ = 	snop;
	(pc) =	sbr.rel .LBB2_12-.Ltmp10, $1  }
0x1f9: {  	_ =	sdelay $0x3  }
.LBB2_3:
.Ltmp11:
0x1fa: {  	(pc) =	sbr.rel .LBB2_6-.Ltmp11, $2  }
0x1fb: {  	_ =	sdelay $0x2  }
0x1fc: {  	_ = 	snop  }
.LBB2_14:
0x1fd: {  	_ =	sfence.sel $0x180000  }
0x1fe: {  	[bflag:$0x0] =	sbarrier.arrive $0xFFFF  }
0x1ff: {  	_ =	strace $0x90000047  }
0x200: {  	s0 =	stileid.u32;
	[bflag:$0x2] =	sbarrier.arrive $0xFFFF  }
0x201: {  	p0 =	sne.s32 s0, $0x0;
	s0 =	rddreg [dreg:$0x4]  }
0x202: {  	s0 =	sadd.s32 @!p0 $0x100000, s0  }
0x203: {  	[sflag:s0] =	ssyncadd.tile.s32 @!p0 $0x1;
	_ =	shalt  }
.Lfunc_end2:
_tile_overlayer_lowered:
.L_overlay_start_2:
0x204: {  	(tag) =	ssettag $0x2  }
0x205: {  	s0 =	rddreg [dreg:$0x0];
	s2 =	stileid.u32  }
0x206: {  	s1 =	rddreg [dreg:$0x1];
	p0 =	sne.s32 s2, $0x0  }
0x207: {  	s3 =	rddreg [dreg:$0x2];
	[bflag:$0x3] =	sbarrier.arrive $0xFFFF;
	s2 =	simm.s32 @!p0 $0x1C06  }
0x208: {  	[timem:s3], [sflag:s2] =	dma.local @!p0 [hbm:s0], s1  }
0x209: {  	s0 =	simm.s32 @!p0 $0x6  }
0x20a: {  	_ =	swait.ge @!p0 [sflag:s0], s1  }
0x20b: {  	s1 =	ssub.s32 @!p0 $0x0, s1;
	[sflag:s0] =	ssyncset.done @!p0 $0x0  }
0x20c: {  	[sflag:s0] =	ssyncadd.s32 @!p0 s1  }
0x20d: {  	[bflag:$0x3] =	sbarrier.arrive $0xFFFF  }
0x20e: {  	_ =	shalt  }

</sc_bundles>
